<compile_context>
chip_gen: v7x
topology: tpu7x:2x2x1
jax: 0.10.2.dev20260603
libtpu: 0.0.44.dev20260713+nightly
codegen_flags: <defaults>
</compile_context>

<pallas_src>
import functools

import jax
import jax.numpy as jnp
from jax.experimental import pallas as pl
from jax.experimental.pallas import tpu as pltpu
from jax.experimental.pallas import tpu_sc as plsc

V, D, H = 1000000, 32, 64
B, L = 4096, 200
N = B * L
PACK = 4
NP = N // PACK
DP, HP = D * PACK, H * PACK



def _pad_idx(x):
    blk = 256

    def body(x_ref, o_ref):
        v = x_ref[...]
        o_ref[pl.Slice(0, blk, 2), :] = v[:, :128]
        tail = jnp.concatenate(
            [v[:, 128:], jnp.zeros((blk, 2 * 128 - L), jnp.int32)], axis=1)
        o_ref[pl.Slice(1, blk, 2), :] = tail

    return pl.pallas_call(
        body,
        grid=(B // blk,),
        in_specs=[pl.BlockSpec((blk, L), lambda i: (i, 0))],
        out_specs=pl.BlockSpec((2 * blk, 128), lambda i: (i, 0)),
        out_shape=jax.ShapeDtypeStruct((2 * B, 128), jnp.int32),
    )(x)


def _sc_gather(table, x_chunk):
    mesh = plsc.VectorSubcoreMesh(core_axis_name="c", subcore_axis_name="s")
    BC = x_chunk.shape[0] // 2

    n_tiles = 32
    rows_per_tile = BC // n_tiles
    XR = 4
    n_steps = rows_per_tile // XR
    assert n_steps % 2 == 0
    TOK = XR * L
    PR = TOK // PACK
    NPC = BC * L // PACK
    W1 = L - 128

    @functools.partial(
        pl.kernel,
        out_type=jax.ShapeDtypeStruct((NPC * DP,), jnp.float32),
        mesh=mesh,
        scratch_types=[
            pltpu.VMEM((2, 2 * XR, 128), jnp.int32),
            pltpu.VMEM((2, TOK, D), jnp.float32),
            pltpu.VMEM((2, PR * DP), jnp.float32),
            pltpu.SemaphoreType.DMA, pltpu.SemaphoreType.DMA,
            pltpu.SemaphoreType.DMA, pltpu.SemaphoreType.DMA,
            pltpu.SemaphoreType.DMA, pltpu.SemaphoreType.DMA,
        ],
        compiler_params=pltpu.CompilerParams(use_tc_tiling_on_sc=False),
    )
    def gather_kernel(table_hbm, idx_hbm, out_hbm, idx_v, rows_v,
                      packed_v, si0, si1, sg0, sg1, so0, so1):
        from jax import lax
        wid = lax.axis_index("s") * 2 + lax.axis_index("c")
        base = wid * rows_per_tile
        sis = (si0, si1)
        sgs = (sg0, sg1)
        sos = (so0, so1)

        def fire_idx_load(i, b):
            pltpu.async_copy(
                idx_hbm.at[pl.ds(2 * (base + i * XR), 2 * XR)],
                idx_v.at[b], sis[b])

        def repack(b):
            @pl.loop(0, PR)
            def _(j):
                for k in range(PACK):
                    for q in range(D // 16):
                        packed_v[b, pl.ds(DP * j + D * k + 16 * q, 16)] = (
                            rows_v[b, 4 * j + k, pl.ds(16 * q, 16)])

        for b in range(2):
            fire_idx_load(b, b)

        @pl.loop(0, n_steps, step=2)
        def _(g):
            copies = [[], []]
            for b in range(2):
                i = g + b
                pltpu.make_async_copy(
                    idx_hbm.at[pl.ds(0, 2 * XR)], idx_v.at[b], sis[b]).wait()
                for r in range(XR):
                    copies[b].append(pltpu.async_copy(
                        table_hbm.at[idx_v.at[b, 2 * r]],
                        rows_v.at[b, pl.ds(r * L, 128)],
                        sgs[b]))
                    copies[b].append(pltpu.async_copy(
                        table_hbm.at[idx_v.at[b, 2 * r + 1, pl.ds(0, W1)]],
                        rows_v.at[b, pl.ds(r * L + 128, W1)],
                        sgs[b]))
            for b in range(2):
                i = g + b
                for c in copies[b]:
                    c.wait()
                @pl.when(i >= 2)
                def _():
                    pltpu.make_async_copy(
                        packed_v.at[b], out_hbm.at[pl.ds(0, PR * DP)],
                        sos[b]).wait()
                repack(b)
                pltpu.async_copy(
                    packed_v.at[b],
                    out_hbm.at[pl.ds((base + i * XR) * L * D, PR * DP)],
                    sos[b])
                @pl.when(i + 2 < n_steps)
                def _():
                    fire_idx_load(i + 2, b)

        for b in range(2):
            pltpu.make_async_copy(
                packed_v.at[b], out_hbm.at[pl.ds(0, PR * DP)], sos[b]).wait()

    return gather_kernel(table, x_chunk)


MLP_BB = 32


def _mlp_body(emb_ref, wp_ref, wt0_ref, bt0_ref, wg0_ref, bg0_ref,
              wt1_ref, bt1_ref, wg1_ref, bg1_ref, out_ref):
    e = emb_ref[...].astype(jnp.bfloat16)
    h = jnp.dot(e, wp_ref[...], preferred_element_type=jnp.float32)
    for wt, bt, wg, bg in ((wt0_ref, bt0_ref, wg0_ref, bg0_ref),
                           (wt1_ref, bt1_ref, wg1_ref, bg1_ref)):
        hb = h.astype(jnp.bfloat16)
        g = jax.nn.sigmoid(
            jnp.dot(hb, wg[...], preferred_element_type=jnp.float32) + bg[...])
        t = jnp.maximum(
            jnp.dot(hb, wt[...], preferred_element_type=jnp.float32) + bt[...],
            0.0)
        h = g * (t - h) + h
    bb = out_ref.shape[0]
    for k in range(PACK):
        v = h[:, k * H:(k + 1) * H].reshape(bb, L // PACK, H)
        out_ref[:, pl.Slice(k, L // PACK, PACK), :] = v


MLP_BB = 32


def _tc_mlp(emb2, *weights):
    full = lambda shape: pl.BlockSpec(shape, lambda i: (0, 0))
    blk_rows = MLP_BB * L // PACK
    return pl.pallas_call(
        _mlp_body,
        grid=(B // MLP_BB,),
        in_specs=[
            pl.BlockSpec((blk_rows, DP), lambda i: (i, 0)),
            full((DP, HP)),
            full((HP, HP)), full((1, HP)),
            full((HP, HP)), full((1, HP)),
            full((HP, HP)), full((1, HP)),
            full((HP, HP)), full((1, HP)),
        ],
        out_specs=pl.BlockSpec((MLP_BB, L, H), lambda i: (i, 0, 0)),
        out_shape=jax.ShapeDtypeStruct((B, L, H), jnp.float32),
        compiler_params=pltpu.CompilerParams(
            dimension_semantics=("parallel",),
        ),
    )(emb2, *weights)


def _block_diag4(w):
    a, b = w.shape
    out = jnp.zeros((PACK * a, PACK * b), w.dtype)
    for i in range(PACK):
        out = out.at[i * a:(i + 1) * a, i * b:(i + 1) * b].set(w)
    return out.astype(jnp.bfloat16)


def kernel(x, table, Wp, Wt0, bt0, Wg0, bg0, Wt1, bt1, Wg1, bg1):
    Wp2 = _block_diag4(Wp)
    args = [Wp2]
    for wt, bt, wg, bg in ((Wt0, bt0, Wg0, bg0), (Wt1, bt1, Wg1, bg1)):
        args += [_block_diag4(wt), jnp.tile(bt, PACK).reshape(1, HP),
                 _block_diag4(wg), jnp.tile(bg, PACK).reshape(1, HP)]

    emb2 = _sc_gather(table, _pad_idx(x)).reshape(NP, DP)
    return _tc_mlp(emb2, *args)

# --- scband reference (transcript-rebuilt; emitter-appended) ---
"""Pipeline reference for scband-embedding-64372969832941 (READ-ONLY COPY).

The authoritative reference and input builder live on the scoring server;
editing this copy changes nothing except your own understanding.
"""

import jax, jax.numpy as jnp
import numpy as np

V, D, H = 1000000, 32, 64
B, L = 4096, 200


def setup_inputs(seed: int = 0) -> dict:
    key = jax.random.key(seed)
    ks = jax.random.split(key, 12)
    x = jax.random.randint(ks[0], (B, L), 0, V, dtype=jnp.int32)
    table = jax.random.normal(ks[1], (V, D), dtype=jnp.float32)
    Wp = jax.random.normal(ks[2], (D, H), dtype=jnp.float32) * 0.05
    Wt0 = jax.random.normal(ks[3], (H, H), dtype=jnp.float32) * 0.05
    bt0 = jnp.zeros((H,), dtype=jnp.float32)
    Wg0 = jax.random.normal(ks[4], (H, H), dtype=jnp.float32) * 0.05
    bg0 = jnp.zeros((H,), dtype=jnp.float32)
    Wt1 = jax.random.normal(ks[5], (H, H), dtype=jnp.float32) * 0.05
    bt1 = jnp.zeros((H,), dtype=jnp.float32)
    Wg1 = jax.random.normal(ks[6], (H, H), dtype=jnp.float32) * 0.05
    bg1 = jnp.zeros((H,), dtype=jnp.float32)
    return {"x": x, "table": table, "Wp": Wp,
            "Wt0": Wt0, "bt0": bt0, "Wg0": Wg0, "bg0": bg0,
            "Wt1": Wt1, "bt1": bt1, "Wg1": Wg1, "bg1": bg1}


def reference(x, table, Wp, Wt0, bt0, Wg0, bg0, Wt1, bt1, Wg1, bg1):
    # emb = self.embed(x)  -- embedding gather
    emb = jnp.take(table, x, axis=0)
    # dropout is identity in eval mode (training=False)
    # emb = self.proj(emb)  -- Linear without bias
    h = emb @ Wp
    # 2-layer HighwayEncoder: h = g * relu(Wt h + bt) + (1 - g) * h, g = sigmoid(Wg h + bg)
    for Wt, bt, Wg, bg in ((Wt0, bt0, Wg0, bg0), (Wt1, bt1, Wg1, bg1)):
        g = jax.nn.sigmoid(h @ Wg + bg)
        t = jax.nn.relu(h @ Wt + bt)
        h = g * t + (1.0 - g) * h
    return h

if __name__ == "__main__":
    import jax
    _d = setup_inputs()
    print(jax.jit(kernel)(*tuple(_d.values())))

</pallas_src>

<mosaic_0001>
#map = affine_map<(d0, d1) -> (0, 0)>
#map1 = affine_map<(d0, d1) -> (0)>
module attributes {stable_mosaic.version = 14 : i64} {
  func.func @gather_kernel(%arg0: i32, %arg1: i32, %arg2: memref<1000000x32xf32, #tpu.memory_space<hbm>>, %arg3: memref<8192x128xi32, #tpu.memory_space<hbm>>, %arg4: memref<26214400xf32, #tpu.memory_space<hbm>>, %arg5: memref<2x8x128xi32, #tpu.memory_space<vmem>>, %arg6: memref<2x800x32xf32, #tpu.memory_space<vmem>>, %arg7: memref<2x25600xf32, #tpu.memory_space<vmem>>, %arg8: memref<!tpu.dma_semaphore, #tpu.memory_space<semaphore_mem>>, %arg9: memref<!tpu.dma_semaphore, #tpu.memory_space<semaphore_mem>>, %arg10: memref<!tpu.dma_semaphore, #tpu.memory_space<semaphore_mem>>, %arg11: memref<!tpu.dma_semaphore, #tpu.memory_space<semaphore_mem>>, %arg12: memref<!tpu.dma_semaphore, #tpu.memory_space<semaphore_mem>>, %arg13: memref<!tpu.dma_semaphore, #tpu.memory_space<semaphore_mem>>) attributes {dimension_semantics = [#tpu.dimension_semantics<core_parallel>, #tpu.dimension_semantics<subcore_parallel>], iteration_bounds = array<i64: 2, 16>, scalar_prefetch = 0 : i64, scratch_operands = 9 : i64, tpu.core_type = #tpu.core_type<sc_vector_subcore>, window_params = [{transform_indices = #map}, {transform_indices = #map}, {transform_indices = #map1}]} {
    %mul3A = arith.constant 2 : i32
    %mul3A_0 = arith.muli %arg1, %mul3A : i32
    %add3A = arith.addi %mul3A_0, %arg0 : i32
    %mul3A_1 = arith.constant 128 : i32
    %mul3A_2 = arith.muli %add3A, %mul3A_1 : i32
    %add3A_3 = arith.constant 0 : i32
    %add3A_4 = arith.addi %mul3A_2, %add3A_3 : i32
    %mul3A_5 = arith.constant 2 : i32
    %mul3A_6 = arith.muli %mul3A_5, %add3A_4 : i32
    %dma_start3A = arith.constant 0 : i32
    %dma_start3A_7 = arith.constant 0 : i32
    %dma_start3A_8 = arith.constant 0 : i32
    %dma_start3A_9 = tpu.memref_slice %arg5[%dma_start3A, %dma_start3A_7, %dma_start3A_8] : memref<2x8x128xi32, #tpu.memory_space<vmem>> -> memref<1x8x128xi32, #tpu.memory_space<vmem>>
    %dma_start3A_10 = tpu.memref_squeeze %dma_start3A_9 : memref<1x8x128xi32, #tpu.memory_space<vmem>> -> memref<8x128xi32, #tpu.memory_space<vmem>>
    %dma_start3A_11 = arith.constant 0 : i32
    %dma_start3A_12 = tpu.memref_slice %arg3[%mul3A_6, %dma_start3A_11] : memref<8192x128xi32, #tpu.memory_space<hbm>> -> memref<8x128xi32, #tpu.memory_space<hbm>>
    %dma_start3A_13 = arith.constant 0 : i32
    %dma_start3A_14 = arith.constant 0 : i32
    %dma_start3A_15 = tpu.memref_slice %arg5[%dma_start3A, %dma_start3A_13, %dma_start3A_14] : memref<2x8x128xi32, #tpu.memory_space<vmem>> -> memref<1x8x128xi32, #tpu.memory_space<vmem>>
    %dma_start3A_16 = tpu.memref_squeeze %dma_start3A_15 : memref<1x8x128xi32, #tpu.memory_space<vmem>> -> memref<8x128xi32, #tpu.memory_space<vmem>>
    %dma_start3A_17 = arith.constant 0 : i32
    %dma_start3A_18 = tpu.memref_slice %arg3[%mul3A_6, %dma_start3A_17] : memref<8192x128xi32, #tpu.memory_space<hbm>> -> memref<8x128xi32, #tpu.memory_space<hbm>>
    tpu.enqueue_dma source(%dma_start3A_18 : memref<8x128xi32, #tpu.memory_space<hbm>>) target(%dma_start3A_16 : memref<8x128xi32, #tpu.memory_space<vmem>>) target_semaphore(%arg8 : memref<!tpu.dma_semaphore, #tpu.memory_space<semaphore_mem>>)
    %add3A_19 = arith.constant 4 : i32
    %add3A_20 = arith.addi %mul3A_2, %add3A_19 : i32
    %mul3A_21 = arith.constant 2 : i32
    %mul3A_22 = arith.muli %mul3A_21, %add3A_20 : i32
    %dma_start3A_23 = arith.constant 1 : i32
    %dma_start3A_24 = arith.constant 0 : i32
    %dma_start3A_25 = arith.constant 0 : i32
    %dma_start3A_26 = tpu.memref_slice %arg5[%dma_start3A_23, %dma_start3A_24, %dma_start3A_25] : memref<2x8x128xi32, #tpu.memory_space<vmem>> -> memref<1x8x128xi32, #tpu.memory_space<vmem>>
    %dma_start3A_27 = tpu.memref_squeeze %dma_start3A_26 : memref<1x8x128xi32, #tpu.memory_space<vmem>> -> memref<8x128xi32, #tpu.memory_space<vmem>>
    %dma_start3A_28 = arith.constant 0 : i32
    %dma_start3A_29 = tpu.memref_slice %arg3[%mul3A_22, %dma_start3A_28] : memref<8192x128xi32, #tpu.memory_space<hbm>> -> memref<8x128xi32, #tpu.memory_space<hbm>>
    %dma_start3A_30 = arith.constant 0 : i32
    %dma_start3A_31 = arith.constant 0 : i32
    %dma_start3A_32 = tpu.memref_slice %arg5[%dma_start3A_23, %dma_start3A_30, %dma_start3A_31] : memref<2x8x128xi32, #tpu.memory_space<vmem>> -> memref<1x8x128xi32, #tpu.memory_space<vmem>>
    %dma_start3A_33 = tpu.memref_squeeze %dma_start3A_32 : memref<1x8x128xi32, #tpu.memory_space<vmem>> -> memref<8x128xi32, #tpu.memory_space<vmem>>
    %dma_start3A_34 = arith.constant 0 : i32
    %dma_start3A_35 = tpu.memref_slice %arg3[%mul3A_22, %dma_start3A_34] : memref<8192x128xi32, #tpu.memory_space<hbm>> -> memref<8x128xi32, #tpu.memory_space<hbm>>
    tpu.enqueue_dma source(%dma_start3A_35 : memref<8x128xi32, #tpu.memory_space<hbm>>) target(%dma_start3A_33 : memref<8x128xi32, #tpu.memory_space<vmem>>) target_semaphore(%arg9 : memref<!tpu.dma_semaphore, #tpu.memory_space<semaphore_mem>>)
    %scan3A = arith.constant 0 : i32
    %scan3A_36 = arith.constant 16 : i32
    %scan3A_37 = arith.addi %scan3A, %scan3A_36 : i32
    %scan3A_38 = arith.constant 1 : i32
    scf.for %scan3A_61 = %scan3A to %scan3A_37 step %scan3A_38  : i32 {
      %mul3A_62 = arith.constant 2 : i32
      %mul3A_63 = arith.muli %scan3A_61, %mul3A_62 : i32
      %add3A_64 = arith.constant 0 : i32
      %add3A_65 = arith.addi %add3A_64, %mul3A_63 : i32
      %add3A_66 = arith.constant 0 : i32
      %add3A_67 = arith.addi %add3A_65, %add3A_66 : i32
      %dma_wait3A_68 = arith.constant 0 : i32
      %dma_wait3A_69 = arith.constant 0 : i32
      %dma_wait3A_70 = arith.constant 0 : i32
      %dma_wait3A_71 = tpu.memref_slice %arg5[%dma_wait3A_68, %dma_wait3A_69, %dma_wait3A_70] : memref<2x8x128xi32, #tpu.memory_space<vmem>> -> memref<1x8x128xi32, #tpu.memory_space<vmem>>
      %dma_wait3A_72 = tpu.memref_squeeze %dma_wait3A_71 : memref<1x8x128xi32, #tpu.memory_space<vmem>> -> memref<8x128xi32, #tpu.memory_space<vmem>>
      %dma_wait3A_73 = arith.constant 0 : i32
      %dma_wait3A_74 = arith.constant 0 : i32
      %dma_wait3A_75 = tpu.memref_slice %arg3[%dma_wait3A_73, %dma_wait3A_74] : memref<8192x128xi32, #tpu.memory_space<hbm>> -> memref<8x128xi32, #tpu.memory_space<hbm>>
      %dma_wait3A_76 = arith.constant 0 : i32
      %dma_wait3A_77 = arith.constant 0 : i32
      %dma_wait3A_78 = tpu.memref_slice %arg5[%dma_wait3A_68, %dma_wait3A_76, %dma_wait3A_77] : memref<2x8x128xi32, #tpu.memory_space<vmem>> -> memref<1x8x128xi32, #tpu.memory_space<vmem>>
      %dma_wait3A_79 = tpu.memref_squeeze %dma_wait3A_78 : memref<1x8x128xi32, #tpu.memory_space<vmem>> -> memref<8x128xi32, #tpu.memory_space<vmem>>
      %dma_wait3A_80 = arith.constant 0 : i32
      %dma_wait3A_81 = arith.constant 0 : i32
      %dma_wait3A_82 = tpu.memref_slice %arg3[%dma_wait3A_80, %dma_wait3A_81] : memref<8192x128xi32, #tpu.memory_space<hbm>> -> memref<8x128xi32, #tpu.memory_space<hbm>>
      tpu.wait_dma2 semaphore(%arg8 : memref<!tpu.dma_semaphore, #tpu.memory_space<semaphore_mem>>) src(%dma_wait3A_82 : memref<8x128xi32, #tpu.memory_space<hbm>>) dst(%dma_wait3A_79 : memref<8x128xi32, #tpu.memory_space<vmem>>)
      %dma_start3A_83 = arith.constant 0 : i32
      %dma_start3A_84 = arith.constant 0 : i32
      %dma_start3A_85 = arith.constant 0 : i32
      %dma_start3A_86 = arith.constant 0 : i32
      %dma_start3A_87 = arith.constant 0 : i32
      %dma_start3A_88 = tpu.memref_slice %arg6[%dma_start3A_85, %dma_start3A_86, %dma_start3A_87] : memref<2x800x32xf32, #tpu.memory_space<vmem>> -> memref<1x128x32xf32, #tpu.memory_space<vmem>>
      %dma_start3A_89 = tpu.memref_squeeze %dma_start3A_88 : memref<1x128x32xf32, #tpu.memory_space<vmem>> -> memref<128x32xf32, #tpu.memory_space<vmem>>
      %dma_start3A_90 = arith.constant 0 : i32
      %dma_start3A_91 = tpu.memref_slice %arg5[%dma_start3A_83, %dma_start3A_84, %dma_start3A_90] : memref<2x8x128xi32, #tpu.memory_space<vmem>> -> memref<1x1x128xi32, #tpu.memory_space<vmem>>
      %dma_start3A_92 = tpu.memref_squeeze %dma_start3A_91 : memref<1x1x128xi32, #tpu.memory_space<vmem>> -> memref<128xi32, #tpu.memory_space<vmem>>
      %dma_start3A_93 = arith.constant 0 : i32
      %dma_start3A_94 = arith.constant 0 : i32
      %dma_start3A_95 = tpu.memref_slice %arg2[%dma_start3A_93, %dma_start3A_94] : memref<1000000x32xf32, #tpu.memory_space<hbm>> -> memref<1000000x32xf32, #tpu.memory_space<hbm>>
      tpu.enqueue_indirect_dma source(%dma_start3A_95 : memref<1000000x32xf32, #tpu.memory_space<hbm>>) target(%dma_start3A_89 : memref<128x32xf32, #tpu.memory_space<vmem>>) offsets(%dma_start3A_92 : memref<128xi32, #tpu.memory_space<vmem>>) semaphore(%arg10 : memref<!tpu.dma_semaphore, #tpu.memory_space<semaphore_mem>>)
      %dma_start3A_96 = arith.constant 0 : i32
      %dma_start3A_97 = arith.constant 1 : i32
      %dma_start3A_98 = arith.constant 0 : i32
      %dma_start3A_99 = arith.constant 128 : i32
      %dma_start3A_100 = arith.constant 0 : i32
      %dma_start3A_101 = tpu.memref_slice %arg6[%dma_start3A_98, %dma_start3A_99, %dma_start3A_100] : memref<2x800x32xf32, #tpu.memory_space<vmem>> -> memref<1x72x32xf32, #tpu.memory_space<vmem>>
      %dma_start3A_102 = tpu.memref_squeeze %dma_start3A_101 : memref<1x72x32xf32, #tpu.memory_space<vmem>> -> memref<72x32xf32, #tpu.memory_space<vmem>>
      %dma_start3A_103 = arith.constant 0 : i32
      %dma_start3A_104 = tpu.memref_slice %arg5[%dma_start3A_96, %dma_start3A_97, %dma_start3A_103] : memref<2x8x128xi32, #tpu.memory_space<vmem>> -> memref<1x1x72xi32, #tpu.memory_space<vmem>>
      %dma_start3A_105 = tpu.memref_squeeze %dma_start3A_104 : memref<1x1x72xi32, #tpu.memory_space<vmem>> -> memref<72xi32, #tpu.memory_space<vmem>>
      %dma_start3A_106 = arith.constant 0 : i32
      %dma_start3A_107 = arith.constant 0 : i32
      %dma_start3A_108 = tpu.memref_slice %arg2[%dma_start3A_106, %dma_start3A_107] : memref<1000000x32xf32, #tpu.memory_space<hbm>> -> memref<1000000x32xf32, #tpu.memory_space<hbm>>
      tpu.enqueue_indirect_dma source(%dma_start3A_108 : memref<1000000x32xf32, #tpu.memory_space<hbm>>) target(%dma_start3A_102 : memref<72x32xf32, #tpu.memory_space<vmem>>) offsets(%dma_start3A_105 : memref<72xi32, #tpu.memory_space<vmem>>) semaphore(%arg10 : memref<!tpu.dma_semaphore, #tpu.memory_space<semaphore_mem>>)
      %dma_start3A_109 = arith.constant 0 : i32
      %dma_start3A_110 = arith.constant 2 : i32
      %dma_start3A_111 = arith.constant 0 : i32
      %dma_start3A_112 = arith.constant 200 : i32
      %dma_start3A_113 = arith.constant 0 : i32
      %dma_start3A_114 = tpu.memref_slice %arg6[%dma_start3A_111, %dma_start3A_112, %dma_start3A_113] : memref<2x800x32xf32, #tpu.memory_space<vmem>> -> memref<1x128x32xf32, #tpu.memory_space<vmem>>
      %dma_start3A_115 = tpu.memref_squeeze %dma_start3A_114 : memref<1x128x32xf32, #tpu.memory_space<vmem>> -> memref<128x32xf32, #tpu.memory_space<vmem>>
      %dma_start3A_116 = arith.constant 0 : i32
      %dma_start3A_117 = tpu.memref_slice %arg5[%dma_start3A_109, %dma_start3A_110, %dma_start3A_116] : memref<2x8x128xi32, #tpu.memory_space<vmem>> -> memref<1x1x128xi32, #tpu.memory_space<vmem>>
      %dma_start3A_118 = tpu.memref_squeeze %dma_start3A_117 : memref<1x1x128xi32, #tpu.memory_space<vmem>> -> memref<128xi32, #tpu.memory_space<vmem>>
      %dma_start3A_119 = arith.constant 0 : i32
      %dma_start3A_120 = arith.constant 0 : i32
      %dma_start3A_121 = tpu.memref_slice %arg2[%dma_start3A_119, %dma_start3A_120] : memref<1000000x32xf32, #tpu.memory_space<hbm>> -> memref<1000000x32xf32, #tpu.memory_space<hbm>>
      tpu.enqueue_indirect_dma source(%dma_start3A_121 : memref<1000000x32xf32, #tpu.memory_space<hbm>>) target(%dma_start3A_115 : memref<128x32xf32, #tpu.memory_space<vmem>>) offsets(%dma_start3A_118 : memref<128xi32, #tpu.memory_space<vmem>>) semaphore(%arg10 : memref<!tpu.dma_semaphore, #tpu.memory_space<semaphore_mem>>)
      %dma_start3A_122 = arith.constant 0 : i32
      %dma_start3A_123 = arith.constant 3 : i32
      %dma_start3A_124 = arith.constant 0 : i32
      %dma_start3A_125 = arith.constant 328 : i32
      %dma_start3A_126 = arith.constant 0 : i32
      %dma_start3A_127 = tpu.memref_slice %arg6[%dma_start3A_124, %dma_start3A_125, %dma_start3A_126] : memref<2x800x32xf32, #tpu.memory_space<vmem>> -> memref<1x72x32xf32, #tpu.memory_space<vmem>>
      %dma_start3A_128 = tpu.memref_squeeze %dma_start3A_127 : memref<1x72x32xf32, #tpu.memory_space<vmem>> -> memref<72x32xf32, #tpu.memory_space<vmem>>
      %dma_start3A_129 = arith.constant 0 : i32
      %dma_start3A_130 = tpu.memref_slice %arg5[%dma_start3A_122, %dma_start3A_123, %dma_start3A_129] : memref<2x8x128xi32, #tpu.memory_space<vmem>> -> memref<1x1x72xi32, #tpu.memory_space<vmem>>
      %dma_start3A_131 = tpu.memref_squeeze %dma_start3A_130 : memref<1x1x72xi32, #tpu.memory_space<vmem>> -> memref<72xi32, #tpu.memory_space<vmem>>
      %dma_start3A_132 = arith.constant 0 : i32
      %dma_start3A_133 = arith.constant 0 : i32
      %dma_start3A_134 = tpu.memref_slice %arg2[%dma_start3A_132, %dma_start3A_133] : memref<1000000x32xf32, #tpu.memory_space<hbm>> -> memref<1000000x32xf32, #tpu.memory_space<hbm>>
      tpu.enqueue_indirect_dma source(%dma_start3A_134 : memref<1000000x32xf32, #tpu.memory_space<hbm>>) target(%dma_start3A_128 : memref<72x32xf32, #tpu.memory_space<vmem>>) offsets(%dma_start3A_131 : memref<72xi32, #tpu.memory_space<vmem>>) semaphore(%arg10 : memref<!tpu.dma_semaphore, #tpu.memory_space<semaphore_mem>>)
      %dma_start3A_135 = arith.constant 0 : i32
      %dma_start3A_136 = arith.constant 4 : i32
      %dma_start3A_137 = arith.constant 0 : i32
      %dma_start3A_138 = arith.constant 400 : i32
      %dma_start3A_139 = arith.constant 0 : i32
      %dma_start3A_140 = tpu.memref_slice %arg6[%dma_start3A_137, %dma_start3A_138, %dma_start3A_139] : memref<2x800x32xf32, #tpu.memory_space<vmem>> -> memref<1x128x32xf32, #tpu.memory_space<vmem>>
      %dma_start3A_141 = tpu.memref_squeeze %dma_start3A_140 : memref<1x128x32xf32, #tpu.memory_space<vmem>> -> memref<128x32xf32, #tpu.memory_space<vmem>>
      %dma_start3A_142 = arith.constant 0 : i32
      %dma_start3A_143 = tpu.memref_slice %arg5[%dma_start3A_135, %dma_start3A_136, %dma_start3A_142] : memref<2x8x128xi32, #tpu.memory_space<vmem>> -> memref<1x1x128xi32, #tpu.memory_space<vmem>>
      %dma_start3A_144 = tpu.memref_squeeze %dma_start3A_143 : memref<1x1x128xi32, #tpu.memory_space<vmem>> -> memref<128xi32, #tpu.memory_space<vmem>>
      %dma_start3A_145 = arith.constant 0 : i32
      %dma_start3A_146 = arith.constant 0 : i32
      %dma_start3A_147 = tpu.memref_slice %arg2[%dma_start3A_145, %dma_start3A_146] : memref<1000000x32xf32, #tpu.memory_space<hbm>> -> memref<1000000x32xf32, #tpu.memory_space<hbm>>
      tpu.enqueue_indirect_dma source(%dma_start3A_147 : memref<1000000x32xf32, #tpu.memory_space<hbm>>) target(%dma_start3A_141 : memref<128x32xf32, #tpu.memory_space<vmem>>) offsets(%dma_start3A_144 : memref<128xi32, #tpu.memory_space<vmem>>) semaphore(%arg10 : memref<!tpu.dma_semaphore, #tpu.memory_space<semaphore_mem>>)
      %dma_start3A_148 = arith.constant 0 : i32
      %dma_start3A_149 = arith.constant 5 : i32
      %dma_start3A_150 = arith.constant 0 : i32
      %dma_start3A_151 = arith.constant 528 : i32
      %dma_start3A_152 = arith.constant 0 : i32
      %dma_start3A_153 = tpu.memref_slice %arg6[%dma_start3A_150, %dma_start3A_151, %dma_start3A_152] : memref<2x800x32xf32, #tpu.memory_space<vmem>> -> memref<1x72x32xf32, #tpu.memory_space<vmem>>
      %dma_start3A_154 = tpu.memref_squeeze %dma_start3A_153 : memref<1x72x32xf32, #tpu.memory_space<vmem>> -> memref<72x32xf32, #tpu.memory_space<vmem>>
      %dma_start3A_155 = arith.constant 0 : i32
      %dma_start3A_156 = tpu.memref_slice %arg5[%dma_start3A_148, %dma_start3A_149, %dma_start3A_155] : memref<2x8x128xi32, #tpu.memory_space<vmem>> -> memref<1x1x72xi32, #tpu.memory_space<vmem>>
      %dma_start3A_157 = tpu.memref_squeeze %dma_start3A_156 : memref<1x1x72xi32, #tpu.memory_space<vmem>> -> memref<72xi32, #tpu.memory_space<vmem>>
      %dma_start3A_158 = arith.constant 0 : i32
      %dma_start3A_159 = arith.constant 0 : i32
      %dma_start3A_160 = tpu.memref_slice %arg2[%dma_start3A_158, %dma_start3A_159] : memref<1000000x32xf32, #tpu.memory_space<hbm>> -> memref<1000000x32xf32, #tpu.memory_space<hbm>>
      tpu.enqueue_indirect_dma source(%dma_start3A_160 : memref<1000000x32xf32, #tpu.memory_space<hbm>>) target(%dma_start3A_154 : memref<72x32xf32, #tpu.memory_space<vmem>>) offsets(%dma_start3A_157 : memref<72xi32, #tpu.memory_space<vmem>>) semaphore(%arg10 : memref<!tpu.dma_semaphore, #tpu.memory_space<semaphore_mem>>)
      %dma_start3A_161 = arith.constant 0 : i32
      %dma_start3A_162 = arith.constant 6 : i32
      %dma_start3A_163 = arith.constant 0 : i32
      %dma_start3A_164 = arith.constant 600 : i32
      %dma_start3A_165 = arith.constant 0 : i32
      %dma_start3A_166 = tpu.memref_slice %arg6[%dma_start3A_163, %dma_start3A_164, %dma_start3A_165] : memref<2x800x32xf32, #tpu.memory_space<vmem>> -> memref<1x128x32xf32, #tpu.memory_space<vmem>>
      %dma_start3A_167 = tpu.memref_squeeze %dma_start3A_166 : memref<1x128x32xf32, #tpu.memory_space<vmem>> -> memref<128x32xf32, #tpu.memory_space<vmem>>
      %dma_start3A_168 = arith.constant 0 : i32
      %dma_start3A_169 = tpu.memref_slice %arg5[%dma_start3A_161, %dma_start3A_162, %dma_start3A_168] : memref<2x8x128xi32, #tpu.memory_space<vmem>> -> memref<1x1x128xi32, #tpu.memory_space<vmem>>
      %dma_start3A_170 = tpu.memref_squeeze %dma_start3A_169 : memref<1x1x128xi32, #tpu.memory_space<vmem>> -> memref<128xi32, #tpu.memory_space<vmem>>
      %dma_start3A_171 = arith.constant 0 : i32
      %dma_start3A_172 = arith.constant 0 : i32
      %dma_start3A_173 = tpu.memref_slice %arg2[%dma_start3A_171, %dma_start3A_172] : memref<1000000x32xf32, #tpu.memory_space<hbm>> -> memref<1000000x32xf32, #tpu.memory_space<hbm>>
      tpu.enqueue_indirect_dma source(%dma_start3A_173 : memref<1000000x32xf32, #tpu.memory_space<hbm>>) target(%dma_start3A_167 : memref<128x32xf32, #tpu.memory_space<vmem>>) offsets(%dma_start3A_170 : memref<128xi32, #tpu.memory_space<vmem>>) semaphore(%arg10 : memref<!tpu.dma_semaphore, #tpu.memory_space<semaphore_mem>>)
      %dma_start3A_174 = arith.constant 0 : i32
      %dma_start3A_175 = arith.constant 7 : i32
      %dma_start3A_176 = arith.constant 0 : i32
      %dma_start3A_177 = arith.constant 728 : i32
      %dma_start3A_178 = arith.constant 0 : i32
      %dma_start3A_179 = tpu.memref_slice %arg6[%dma_start3A_176, %dma_start3A_177, %dma_start3A_178] : memref<2x800x32xf32, #tpu.memory_space<vmem>> -> memref<1x72x32xf32, #tpu.memory_space<vmem>>
      %dma_start3A_180 = tpu.memref_squeeze %dma_start3A_179 : memref<1x72x32xf32, #tpu.memory_space<vmem>> -> memref<72x32xf32, #tpu.memory_space<vmem>>
      %dma_start3A_181 = arith.constant 0 : i32
      %dma_start3A_182 = tpu.memref_slice %arg5[%dma_start3A_174, %dma_start3A_175, %dma_start3A_181] : memref<2x8x128xi32, #tpu.memory_space<vmem>> -> memref<1x1x72xi32, #tpu.memory_space<vmem>>
      %dma_start3A_183 = tpu.memref_squeeze %dma_start3A_182 : memref<1x1x72xi32, #tpu.memory_space<vmem>> -> memref<72xi32, #tpu.memory_space<vmem>>
      %dma_start3A_184 = arith.constant 0 : i32
      %dma_start3A_185 = arith.constant 0 : i32
      %dma_start3A_186 = tpu.memref_slice %arg2[%dma_start3A_184, %dma_start3A_185] : memref<1000000x32xf32, #tpu.memory_space<hbm>> -> memref<1000000x32xf32, #tpu.memory_space<hbm>>
      tpu.enqueue_indirect_dma source(%dma_start3A_186 : memref<1000000x32xf32, #tpu.memory_space<hbm>>) target(%dma_start3A_180 : memref<72x32xf32, #tpu.memory_space<vmem>>) offsets(%dma_start3A_183 : memref<72xi32, #tpu.memory_space<vmem>>) semaphore(%arg10 : memref<!tpu.dma_semaphore, #tpu.memory_space<semaphore_mem>>)
      %add3A_187 = arith.constant 1 : i32
      %add3A_188 = arith.addi %add3A_65, %add3A_187 : i32
      %dma_wait3A_189 = arith.constant 1 : i32
      %dma_wait3A_190 = arith.constant 0 : i32
      %dma_wait3A_191 = arith.constant 0 : i32
      %dma_wait3A_192 = tpu.memref_slice %arg5[%dma_wait3A_189, %dma_wait3A_190, %dma_wait3A_191] : memref<2x8x128xi32, #tpu.memory_space<vmem>> -> memref<1x8x128xi32, #tpu.memory_space<vmem>>
      %dma_wait3A_193 = tpu.memref_squeeze %dma_wait3A_192 : memref<1x8x128xi32, #tpu.memory_space<vmem>> -> memref<8x128xi32, #tpu.memory_space<vmem>>
      %dma_wait3A_194 = arith.constant 0 : i32
      %dma_wait3A_195 = arith.constant 0 : i32
      %dma_wait3A_196 = tpu.memref_slice %arg3[%dma_wait3A_194, %dma_wait3A_195] : memref<8192x128xi32, #tpu.memory_space<hbm>> -> memref<8x128xi32, #tpu.memory_space<hbm>>
      %dma_wait3A_197 = arith.constant 0 : i32
      %dma_wait3A_198 = arith.constant 0 : i32
      %dma_wait3A_199 = tpu.memref_slice %arg5[%dma_wait3A_189, %dma_wait3A_197, %dma_wait3A_198] : memref<2x8x128xi32, #tpu.memory_space<vmem>> -> memref<1x8x128xi32, #tpu.memory_space<vmem>>
      %dma_wait3A_200 = tpu.memref_squeeze %dma_wait3A_199 : memref<1x8x128xi32, #tpu.memory_space<vmem>> -> memref<8x128xi32, #tpu.memory_space<vmem>>
      %dma_wait3A_201 = arith.constant 0 : i32
      %dma_wait3A_202 = arith.constant 0 : i32
      %dma_wait3A_203 = tpu.memref_slice %arg3[%dma_wait3A_201, %dma_wait3A_202] : memref<8192x128xi32, #tpu.memory_space<hbm>> -> memref<8x128xi32, #tpu.memory_space<hbm>>
      tpu.wait_dma2 semaphore(%arg9 : memref<!tpu.dma_semaphore, #tpu.memory_space<semaphore_mem>>) src(%dma_wait3A_203 : memref<8x128xi32, #tpu.memory_space<hbm>>) dst(%dma_wait3A_200 : memref<8x128xi32, #tpu.memory_space<vmem>>)
      %dma_start3A_204 = arith.constant 1 : i32
      %dma_start3A_205 = arith.constant 0 : i32
      %dma_start3A_206 = arith.constant 1 : i32
      %dma_start3A_207 = arith.constant 0 : i32
      %dma_start3A_208 = arith.constant 0 : i32
      %dma_start3A_209 = tpu.memref_slice %arg6[%dma_start3A_206, %dma_start3A_207, %dma_start3A_208] : memref<2x800x32xf32, #tpu.memory_space<vmem>> -> memref<1x128x32xf32, #tpu.memory_space<vmem>>
      %dma_start3A_210 = tpu.memref_squeeze %dma_start3A_209 : memref<1x128x32xf32, #tpu.memory_space<vmem>> -> memref<128x32xf32, #tpu.memory_space<vmem>>
      %dma_start3A_211 = arith.constant 0 : i32
      %dma_start3A_212 = tpu.memref_slice %arg5[%dma_start3A_204, %dma_start3A_205, %dma_start3A_211] : memref<2x8x128xi32, #tpu.memory_space<vmem>> -> memref<1x1x128xi32, #tpu.memory_space<vmem>>
      %dma_start3A_213 = tpu.memref_squeeze %dma_start3A_212 : memref<1x1x128xi32, #tpu.memory_space<vmem>> -> memref<128xi32, #tpu.memory_space<vmem>>
      %dma_start3A_214 = arith.constant 0 : i32
      %dma_start3A_215 = arith.constant 0 : i32
      %dma_start3A_216 = tpu.memref_slice %arg2[%dma_start3A_214, %dma_start3A_215] : memref<1000000x32xf32, #tpu.memory_space<hbm>> -> memref<1000000x32xf32, #tpu.memory_space<hbm>>
      tpu.enqueue_indirect_dma source(%dma_start3A_216 : memref<1000000x32xf32, #tpu.memory_space<hbm>>) target(%dma_start3A_210 : memref<128x32xf32, #tpu.memory_space<vmem>>) offsets(%dma_start3A_213 : memref<128xi32, #tpu.memory_space<vmem>>) semaphore(%arg11 : memref<!tpu.dma_semaphore, #tpu.memory_space<semaphore_mem>>)
      %dma_start3A_217 = arith.constant 1 : i32
      %dma_start3A_218 = arith.constant 1 : i32
      %dma_start3A_219 = arith.constant 1 : i32
      %dma_start3A_220 = arith.constant 128 : i32
      %dma_start3A_221 = arith.constant 0 : i32
      %dma_start3A_222 = tpu.memref_slice %arg6[%dma_start3A_219, %dma_start3A_220, %dma_start3A_221] : memref<2x800x32xf32, #tpu.memory_space<vmem>> -> memref<1x72x32xf32, #tpu.memory_space<vmem>>
      %dma_start3A_223 = tpu.memref_squeeze %dma_start3A_222 : memref<1x72x32xf32, #tpu.memory_space<vmem>> -> memref<72x32xf32, #tpu.memory_space<vmem>>
      %dma_start3A_224 = arith.constant 0 : i32
      %dma_start3A_225 = tpu.memref_slice %arg5[%dma_start3A_217, %dma_start3A_218, %dma_start3A_224] : memref<2x8x128xi32, #tpu.memory_space<vmem>> -> memref<1x1x72xi32, #tpu.memory_space<vmem>>
      %dma_start3A_226 = tpu.memref_squeeze %dma_start3A_225 : memref<1x1x72xi32, #tpu.memory_space<vmem>> -> memref<72xi32, #tpu.memory_space<vmem>>
      %dma_start3A_227 = arith.constant 0 : i32
      %dma_start3A_228 = arith.constant 0 : i32
      %dma_start3A_229 = tpu.memref_slice %arg2[%dma_start3A_227, %dma_start3A_228] : memref<1000000x32xf32, #tpu.memory_space<hbm>> -> memref<1000000x32xf32, #tpu.memory_space<hbm>>
      tpu.enqueue_indirect_dma source(%dma_start3A_229 : memref<1000000x32xf32, #tpu.memory_space<hbm>>) target(%dma_start3A_223 : memref<72x32xf32, #tpu.memory_space<vmem>>) offsets(%dma_start3A_226 : memref<72xi32, #tpu.memory_space<vmem>>) semaphore(%arg11 : memref<!tpu.dma_semaphore, #tpu.memory_space<semaphore_mem>>)
      %dma_start3A_230 = arith.constant 1 : i32
      %dma_start3A_231 = arith.constant 2 : i32
      %dma_start3A_232 = arith.constant 1 : i32
      %dma_start3A_233 = arith.constant 200 : i32
      %dma_start3A_234 = arith.constant 0 : i32
      %dma_start3A_235 = tpu.memref_slice %arg6[%dma_start3A_232, %dma_start3A_233, %dma_start3A_234] : memref<2x800x32xf32, #tpu.memory_space<vmem>> -> memref<1x128x32xf32, #tpu.memory_space<vmem>>
      %dma_start3A_236 = tpu.memref_squeeze %dma_start3A_235 : memref<1x128x32xf32, #tpu.memory_space<vmem>> -> memref<128x32xf32, #tpu.memory_space<vmem>>
      %dma_start3A_237 = arith.constant 0 : i32
      %dma_start3A_238 = tpu.memref_slice %arg5[%dma_start3A_230, %dma_start3A_231, %dma_start3A_237] : memref<2x8x128xi32, #tpu.memory_space<vmem>> -> memref<1x1x128xi32, #tpu.memory_space<vmem>>
      %dma_start3A_239 = tpu.memref_squeeze %dma_start3A_238 : memref<1x1x128xi32, #tpu.memory_space<vmem>> -> memref<128xi32, #tpu.memory_space<vmem>>
      %dma_start3A_240 = arith.constant 0 : i32
      %dma_start3A_241 = arith.constant 0 : i32
      %dma_start3A_242 = tpu.memref_slice %arg2[%dma_start3A_240, %dma_start3A_241] : memref<1000000x32xf32, #tpu.memory_space<hbm>> -> memref<1000000x32xf32, #tpu.memory_space<hbm>>
      tpu.enqueue_indirect_dma source(%dma_start3A_242 : memref<1000000x32xf32, #tpu.memory_space<hbm>>) target(%dma_start3A_236 : memref<128x32xf32, #tpu.memory_space<vmem>>) offsets(%dma_start3A_239 : memref<128xi32, #tpu.memory_space<vmem>>) semaphore(%arg11 : memref<!tpu.dma_semaphore, #tpu.memory_space<semaphore_mem>>)
      %dma_start3A_243 = arith.constant 1 : i32
      %dma_start3A_244 = arith.constant 3 : i32
      %dma_start3A_245 = arith.constant 1 : i32
      %dma_start3A_246 = arith.constant 328 : i32
      %dma_start3A_247 = arith.constant 0 : i32
      %dma_start3A_248 = tpu.memref_slice %arg6[%dma_start3A_245, %dma_start3A_246, %dma_start3A_247] : memref<2x800x32xf32, #tpu.memory_space<vmem>> -> memref<1x72x32xf32, #tpu.memory_space<vmem>>
      %dma_start3A_249 = tpu.memref_squeeze %dma_start3A_248 : memref<1x72x32xf32, #tpu.memory_space<vmem>> -> memref<72x32xf32, #tpu.memory_space<vmem>>
      %dma_start3A_250 = arith.constant 0 : i32
      %dma_start3A_251 = tpu.memref_slice %arg5[%dma_start3A_243, %dma_start3A_244, %dma_start3A_250] : memref<2x8x128xi32, #tpu.memory_space<vmem>> -> memref<1x1x72xi32, #tpu.memory_space<vmem>>
      %dma_start3A_252 = tpu.memref_squeeze %dma_start3A_251 : memref<1x1x72xi32, #tpu.memory_space<vmem>> -> memref<72xi32, #tpu.memory_space<vmem>>
      %dma_start3A_253 = arith.constant 0 : i32
      %dma_start3A_254 = arith.constant 0 : i32
      %dma_start3A_255 = tpu.memref_slice %arg2[%dma_start3A_253, %dma_start3A_254] : memref<1000000x32xf32, #tpu.memory_space<hbm>> -> memref<1000000x32xf32, #tpu.memory_space<hbm>>
      tpu.enqueue_indirect_dma source(%dma_start3A_255 : memref<1000000x32xf32, #tpu.memory_space<hbm>>) target(%dma_start3A_249 : memref<72x32xf32, #tpu.memory_space<vmem>>) offsets(%dma_start3A_252 : memref<72xi32, #tpu.memory_space<vmem>>) semaphore(%arg11 : memref<!tpu.dma_semaphore, #tpu.memory_space<semaphore_mem>>)
      %dma_start3A_256 = arith.constant 1 : i32
      %dma_start3A_257 = arith.constant 4 : i32
      %dma_start3A_258 = arith.constant 1 : i32
      %dma_start3A_259 = arith.constant 400 : i32
      %dma_start3A_260 = arith.constant 0 : i32
      %dma_start3A_261 = tpu.memref_slice %arg6[%dma_start3A_258, %dma_start3A_259, %dma_start3A_260] : memref<2x800x32xf32, #tpu.memory_space<vmem>> -> memref<1x128x32xf32, #tpu.memory_space<vmem>>
      %dma_start3A_262 = tpu.memref_squeeze %dma_start3A_261 : memref<1x128x32xf32, #tpu.memory_space<vmem>> -> memref<128x32xf32, #tpu.memory_space<vmem>>
      %dma_start3A_263 = arith.constant 0 : i32
      %dma_start3A_264 = tpu.memref_slice %arg5[%dma_start3A_256, %dma_start3A_257, %dma_start3A_263] : memref<2x8x128xi32, #tpu.memory_space<vmem>> -> memref<1x1x128xi32, #tpu.memory_space<vmem>>
      %dma_start3A_265 = tpu.memref_squeeze %dma_start3A_264 : memref<1x1x128xi32, #tpu.memory_space<vmem>> -> memref<128xi32, #tpu.memory_space<vmem>>
      %dma_start3A_266 = arith.constant 0 : i32
      %dma_start3A_267 = arith.constant 0 : i32
      %dma_start3A_268 = tpu.memref_slice %arg2[%dma_start3A_266, %dma_start3A_267] : memref<1000000x32xf32, #tpu.memory_space<hbm>> -> memref<1000000x32xf32, #tpu.memory_space<hbm>>
      tpu.enqueue_indirect_dma source(%dma_start3A_268 : memref<1000000x32xf32, #tpu.memory_space<hbm>>) target(%dma_start3A_262 : memref<128x32xf32, #tpu.memory_space<vmem>>) offsets(%dma_start3A_265 : memref<128xi32, #tpu.memory_space<vmem>>) semaphore(%arg11 : memref<!tpu.dma_semaphore, #tpu.memory_space<semaphore_mem>>)
      %dma_start3A_269 = arith.constant 1 : i32
      %dma_start3A_270 = arith.constant 5 : i32
      %dma_start3A_271 = arith.constant 1 : i32
      %dma_start3A_272 = arith.constant 528 : i32
      %dma_start3A_273 = arith.constant 0 : i32
      %dma_start3A_274 = tpu.memref_slice %arg6[%dma_start3A_271, %dma_start3A_272, %dma_start3A_273] : memref<2x800x32xf32, #tpu.memory_space<vmem>> -> memref<1x72x32xf32, #tpu.memory_space<vmem>>
      %dma_start3A_275 = tpu.memref_squeeze %dma_start3A_274 : memref<1x72x32xf32, #tpu.memory_space<vmem>> -> memref<72x32xf32, #tpu.memory_space<vmem>>
      %dma_start3A_276 = arith.constant 0 : i32
      %dma_start3A_277 = tpu.memref_slice %arg5[%dma_start3A_269, %dma_start3A_270, %dma_start3A_276] : memref<2x8x128xi32, #tpu.memory_space<vmem>> -> memref<1x1x72xi32, #tpu.memory_space<vmem>>
      %dma_start3A_278 = tpu.memref_squeeze %dma_start3A_277 : memref<1x1x72xi32, #tpu.memory_space<vmem>> -> memref<72xi32, #tpu.memory_space<vmem>>
      %dma_start3A_279 = arith.constant 0 : i32
      %dma_start3A_280 = arith.constant 0 : i32
      %dma_start3A_281 = tpu.memref_slice %arg2[%dma_start3A_279, %dma_start3A_280] : memref<1000000x32xf32, #tpu.memory_space<hbm>> -> memref<1000000x32xf32, #tpu.memory_space<hbm>>
      tpu.enqueue_indirect_dma source(%dma_start3A_281 : memref<1000000x32xf32, #tpu.memory_space<hbm>>) target(%dma_start3A_275 : memref<72x32xf32, #tpu.memory_space<vmem>>) offsets(%dma_start3A_278 : memref<72xi32, #tpu.memory_space<vmem>>) semaphore(%arg11 : memref<!tpu.dma_semaphore, #tpu.memory_space<semaphore_mem>>)
      %dma_start3A_282 = arith.constant 1 : i32
      %dma_start3A_283 = arith.constant 6 : i32
      %dma_start3A_284 = arith.constant 1 : i32
      %dma_start3A_285 = arith.constant 600 : i32
      %dma_start3A_286 = arith.constant 0 : i32
      %dma_start3A_287 = tpu.memref_slice %arg6[%dma_start3A_284, %dma_start3A_285, %dma_start3A_286] : memref<2x800x32xf32, #tpu.memory_space<vmem>> -> memref<1x128x32xf32, #tpu.memory_space<vmem>>
      %dma_start3A_288 = tpu.memref_squeeze %dma_start3A_287 : memref<1x128x32xf32, #tpu.memory_space<vmem>> -> memref<128x32xf32, #tpu.memory_space<vmem>>
      %dma_start3A_289 = arith.constant 0 : i32
      %dma_start3A_290 = tpu.memref_slice %arg5[%dma_start3A_282, %dma_start3A_283, %dma_start3A_289] : memref<2x8x128xi32, #tpu.memory_space<vmem>> -> memref<1x1x128xi32, #tpu.memory_space<vmem>>
      %dma_start3A_291 = tpu.memref_squeeze %dma_start3A_290 : memref<1x1x128xi32, #tpu.memory_space<vmem>> -> memref<128xi32, #tpu.memory_space<vmem>>
      %dma_start3A_292 = arith.constant 0 : i32
      %dma_start3A_293 = arith.constant 0 : i32
      %dma_start3A_294 = tpu.memref_slice %arg2[%dma_start3A_292, %dma_start3A_293] : memref<1000000x32xf32, #tpu.memory_space<hbm>> -> memref<1000000x32xf32, #tpu.memory_space<hbm>>
      tpu.enqueue_indirect_dma source(%dma_start3A_294 : memref<1000000x32xf32, #tpu.memory_space<hbm>>) target(%dma_start3A_288 : memref<128x32xf32, #tpu.memory_space<vmem>>) offsets(%dma_start3A_291 : memref<128xi32, #tpu.memory_space<vmem>>) semaphore(%arg11 : memref<!tpu.dma_semaphore, #tpu.memory_space<semaphore_mem>>)
      %dma_start3A_295 = arith.constant 1 : i32
      %dma_start3A_296 = arith.constant 7 : i32
      %dma_start3A_297 = arith.constant 1 : i32
      %dma_start3A_298 = arith.constant 728 : i32
      %dma_start3A_299 = arith.constant 0 : i32
      %dma_start3A_300 = tpu.memref_slice %arg6[%dma_start3A_297, %dma_start3A_298, %dma_start3A_299] : memref<2x800x32xf32, #tpu.memory_space<vmem>> -> memref<1x72x32xf32, #tpu.memory_space<vmem>>
      %dma_start3A_301 = tpu.memref_squeeze %dma_start3A_300 : memref<1x72x32xf32, #tpu.memory_space<vmem>> -> memref<72x32xf32, #tpu.memory_space<vmem>>
      %dma_start3A_302 = arith.constant 0 : i32
      %dma_start3A_303 = tpu.memref_slice %arg5[%dma_start3A_295, %dma_start3A_296, %dma_start3A_302] : memref<2x8x128xi32, #tpu.memory_space<vmem>> -> memref<1x1x72xi32, #tpu.memory_space<vmem>>
      %dma_start3A_304 = tpu.memref_squeeze %dma_start3A_303 : memref<1x1x72xi32, #tpu.memory_space<vmem>> -> memref<72xi32, #tpu.memory_space<vmem>>
      %dma_start3A_305 = arith.constant 0 : i32
      %dma_start3A_306 = arith.constant 0 : i32
      %dma_start3A_307 = tpu.memref_slice %arg2[%dma_start3A_305, %dma_start3A_306] : memref<1000000x32xf32, #tpu.memory_space<hbm>> -> memref<1000000x32xf32, #tpu.memory_space<hbm>>
      tpu.enqueue_indirect_dma source(%dma_start3A_307 : memref<1000000x32xf32, #tpu.memory_space<hbm>>) target(%dma_start3A_301 : memref<72x32xf32, #tpu.memory_space<vmem>>) offsets(%dma_start3A_304 : memref<72xi32, #tpu.memory_space<vmem>>) semaphore(%arg11 : memref<!tpu.dma_semaphore, #tpu.memory_space<semaphore_mem>>)
      %add3A_308 = arith.constant 0 : i32
      %add3A_309 = arith.addi %add3A_65, %add3A_308 : i32
      %dma_wait3A_310 = arith.constant 0 : i32
      %dma_wait3A_311 = arith.constant 0 : i32
      %dma_wait3A_312 = arith.constant 0 : i32
      %dma_wait3A_313 = arith.constant 0 : i32
      %dma_wait3A_314 = arith.constant 0 : i32
      %dma_wait3A_315 = tpu.memref_slice %arg6[%dma_wait3A_312, %dma_wait3A_313, %dma_wait3A_314] : memref<2x800x32xf32, #tpu.memory_space<vmem>> -> memref<1x128x32xf32, #tpu.memory_space<vmem>>
      %dma_wait3A_316 = tpu.memref_squeeze %dma_wait3A_315 : memref<1x128x32xf32, #tpu.memory_space<vmem>> -> memref<128x32xf32, #tpu.memory_space<vmem>>
      %dma_wait3A_317 = arith.constant 0 : i32
      %dma_wait3A_318 = tpu.memref_slice %arg5[%dma_wait3A_310, %dma_wait3A_311, %dma_wait3A_317] : memref<2x8x128xi32, #tpu.memory_space<vmem>> -> memref<1x1x128xi32, #tpu.memory_space<vmem>>
      %dma_wait3A_319 = tpu.memref_squeeze %dma_wait3A_318 : memref<1x1x128xi32, #tpu.memory_space<vmem>> -> memref<128xi32, #tpu.memory_space<vmem>>
      %dma_wait3A_320 = arith.constant 0 : i32
      %dma_wait3A_321 = arith.constant 0 : i32
      %dma_wait3A_322 = tpu.memref_slice %arg2[%dma_wait3A_320, %dma_wait3A_321] : memref<1000000x32xf32, #tpu.memory_space<hbm>> -> memref<1000000x32xf32, #tpu.memory_space<hbm>>
      tpu.wait_indirect_dma semaphore(%arg10 : memref<!tpu.dma_semaphore, #tpu.memory_space<semaphore_mem>>) src(%dma_wait3A_322 : memref<1000000x32xf32, #tpu.memory_space<hbm>>) dst(%dma_wait3A_316 : memref<128x32xf32, #tpu.memory_space<vmem>>)
      %dma_wait3A_323 = arith.constant 0 : i32
      %dma_wait3A_324 = arith.constant 1 : i32
      %dma_wait3A_325 = arith.constant 0 : i32
      %dma_wait3A_326 = arith.constant 128 : i32
      %dma_wait3A_327 = arith.constant 0 : i32
      %dma_wait3A_328 = tpu.memref_slice %arg6[%dma_wait3A_325, %dma_wait3A_326, %dma_wait3A_327] : memref<2x800x32xf32, #tpu.memory_space<vmem>> -> memref<1x72x32xf32, #tpu.memory_space<vmem>>
      %dma_wait3A_329 = tpu.memref_squeeze %dma_wait3A_328 : memref<1x72x32xf32, #tpu.memory_space<vmem>> -> memref<72x32xf32, #tpu.memory_space<vmem>>
      %dma_wait3A_330 = arith.constant 0 : i32
      %dma_wait3A_331 = tpu.memref_slice %arg5[%dma_wait3A_323, %dma_wait3A_324, %dma_wait3A_330] : memref<2x8x128xi32, #tpu.memory_space<vmem>> -> memref<1x1x72xi32, #tpu.memory_space<vmem>>
      %dma_wait3A_332 = tpu.memref_squeeze %dma_wait3A_331 : memref<1x1x72xi32, #tpu.memory_space<vmem>> -> memref<72xi32, #tpu.memory_space<vmem>>
      %dma_wait3A_333 = arith.constant 0 : i32
      %dma_wait3A_334 = arith.constant 0 : i32
      %dma_wait3A_335 = tpu.memref_slice %arg2[%dma_wait3A_333, %dma_wait3A_334] : memref<1000000x32xf32, #tpu.memory_space<hbm>> -> memref<1000000x32xf32, #tpu.memory_space<hbm>>
      tpu.wait_indirect_dma semaphore(%arg10 : memref<!tpu.dma_semaphore, #tpu.memory_space<semaphore_mem>>) src(%dma_wait3A_335 : memref<1000000x32xf32, #tpu.memory_space<hbm>>) dst(%dma_wait3A_329 : memref<72x32xf32, #tpu.memory_space<vmem>>)
      %dma_wait3A_336 = arith.constant 0 : i32
      %dma_wait3A_337 = arith.constant 2 : i32
      %dma_wait3A_338 = arith.constant 0 : i32
      %dma_wait3A_339 = arith.constant 200 : i32
      %dma_wait3A_340 = arith.constant 0 : i32
      %dma_wait3A_341 = tpu.memref_slice %arg6[%dma_wait3A_338, %dma_wait3A_339, %dma_wait3A_340] : memref<2x800x32xf32, #tpu.memory_space<vmem>> -> memref<1x128x32xf32, #tpu.memory_space<vmem>>
      %dma_wait3A_342 = tpu.memref_squeeze %dma_wait3A_341 : memref<1x128x32xf32, #tpu.memory_space<vmem>> -> memref<128x32xf32, #tpu.memory_space<vmem>>
      %dma_wait3A_343 = arith.constant 0 : i32
      %dma_wait3A_344 = tpu.memref_slice %arg5[%dma_wait3A_336, %dma_wait3A_337, %dma_wait3A_343] : memref<2x8x128xi32, #tpu.memory_space<vmem>> -> memref<1x1x128xi32, #tpu.memory_space<vmem>>
      %dma_wait3A_345 = tpu.memref_squeeze %dma_wait3A_344 : memref<1x1x128xi32, #tpu.memory_space<vmem>> -> memref<128xi32, #tpu.memory_space<vmem>>
      %dma_wait3A_346 = arith.constant 0 : i32
      %dma_wait3A_347 = arith.constant 0 : i32
      %dma_wait3A_348 = tpu.memref_slice %arg2[%dma_wait3A_346, %dma_wait3A_347] : memref<1000000x32xf32, #tpu.memory_space<hbm>> -> memref<1000000x32xf32, #tpu.memory_space<hbm>>
      tpu.wait_indirect_dma semaphore(%arg10 : memref<!tpu.dma_semaphore, #tpu.memory_space<semaphore_mem>>) src(%dma_wait3A_348 : memref<1000000x32xf32, #tpu.memory_space<hbm>>) dst(%dma_wait3A_342 : memref<128x32xf32, #tpu.memory_space<vmem>>)
      %dma_wait3A_349 = arith.constant 0 : i32
      %dma_wait3A_350 = arith.constant 3 : i32
      %dma_wait3A_351 = arith.constant 0 : i32
      %dma_wait3A_352 = arith.constant 328 : i32
      %dma_wait3A_353 = arith.constant 0 : i32
      %dma_wait3A_354 = tpu.memref_slice %arg6[%dma_wait3A_351, %dma_wait3A_352, %dma_wait3A_353] : memref<2x800x32xf32, #tpu.memory_space<vmem>> -> memref<1x72x32xf32, #tpu.memory_space<vmem>>
      %dma_wait3A_355 = tpu.memref_squeeze %dma_wait3A_354 : memref<1x72x32xf32, #tpu.memory_space<vmem>> -> memref<72x32xf32, #tpu.memory_space<vmem>>
      %dma_wait3A_356 = arith.constant 0 : i32
      %dma_wait3A_357 = tpu.memref_slice %arg5[%dma_wait3A_349, %dma_wait3A_350, %dma_wait3A_356] : memref<2x8x128xi32, #tpu.memory_space<vmem>> -> memref<1x1x72xi32, #tpu.memory_space<vmem>>
      %dma_wait3A_358 = tpu.memref_squeeze %dma_wait3A_357 : memref<1x1x72xi32, #tpu.memory_space<vmem>> -> memref<72xi32, #tpu.memory_space<vmem>>
      %dma_wait3A_359 = arith.constant 0 : i32
      %dma_wait3A_360 = arith.constant 0 : i32
      %dma_wait3A_361 = tpu.memref_slice %arg2[%dma_wait3A_359, %dma_wait3A_360] : memref<1000000x32xf32, #tpu.memory_space<hbm>> -> memref<1000000x32xf32, #tpu.memory_space<hbm>>
      tpu.wait_indirect_dma semaphore(%arg10 : memref<!tpu.dma_semaphore, #tpu.memory_space<semaphore_mem>>) src(%dma_wait3A_361 : memref<1000000x32xf32, #tpu.memory_space<hbm>>) dst(%dma_wait3A_355 : memref<72x32xf32, #tpu.memory_space<vmem>>)
      %dma_wait3A_362 = arith.constant 0 : i32
      %dma_wait3A_363 = arith.constant 4 : i32
      %dma_wait3A_364 = arith.constant 0 : i32
      %dma_wait3A_365 = arith.constant 400 : i32
      %dma_wait3A_366 = arith.constant 0 : i32
      %dma_wait3A_367 = tpu.memref_slice %arg6[%dma_wait3A_364, %dma_wait3A_365, %dma_wait3A_366] : memref<2x800x32xf32, #tpu.memory_space<vmem>> -> memref<1x128x32xf32, #tpu.memory_space<vmem>>
      %dma_wait3A_368 = tpu.memref_squeeze %dma_wait3A_367 : memref<1x128x32xf32, #tpu.memory_space<vmem>> -> memref<128x32xf32, #tpu.memory_space<vmem>>
      %dma_wait3A_369 = arith.constant 0 : i32
      %dma_wait3A_370 = tpu.memref_slice %arg5[%dma_wait3A_362, %dma_wait3A_363, %dma_wait3A_369] : memref<2x8x128xi32, #tpu.memory_space<vmem>> -> memref<1x1x128xi32, #tpu.memory_space<vmem>>
      %dma_wait3A_371 = tpu.memref_squeeze %dma_wait3A_370 : memref<1x1x128xi32, #tpu.memory_space<vmem>> -> memref<128xi32, #tpu.memory_space<vmem>>
      %dma_wait3A_372 = arith.constant 0 : i32
      %dma_wait3A_373 = arith.constant 0 : i32
      %dma_wait3A_374 = tpu.memref_slice %arg2[%dma_wait3A_372, %dma_wait3A_373] : memref<1000000x32xf32, #tpu.memory_space<hbm>> -> memref<1000000x32xf32, #tpu.memory_space<hbm>>
      tpu.wait_indirect_dma semaphore(%arg10 : memref<!tpu.dma_semaphore, #tpu.memory_space<semaphore_mem>>) src(%dma_wait3A_374 : memref<1000000x32xf32, #tpu.memory_space<hbm>>) dst(%dma_wait3A_368 : memref<128x32xf32, #tpu.memory_space<vmem>>)
      %dma_wait3A_375 = arith.constant 0 : i32
      %dma_wait3A_376 = arith.constant 5 : i32
      %dma_wait3A_377 = arith.constant 0 : i32
      %dma_wait3A_378 = arith.constant 528 : i32
      %dma_wait3A_379 = arith.constant 0 : i32
      %dma_wait3A_380 = tpu.memref_slice %arg6[%dma_wait3A_377, %dma_wait3A_378, %dma_wait3A_379] : memref<2x800x32xf32, #tpu.memory_space<vmem>> -> memref<1x72x32xf32, #tpu.memory_space<vmem>>
      %dma_wait3A_381 = tpu.memref_squeeze %dma_wait3A_380 : memref<1x72x32xf32, #tpu.memory_space<vmem>> -> memref<72x32xf32, #tpu.memory_space<vmem>>
      %dma_wait3A_382 = arith.constant 0 : i32
      %dma_wait3A_383 = tpu.memref_slice %arg5[%dma_wait3A_375, %dma_wait3A_376, %dma_wait3A_382] : memref<2x8x128xi32, #tpu.memory_space<vmem>> -> memref<1x1x72xi32, #tpu.memory_space<vmem>>
      %dma_wait3A_384 = tpu.memref_squeeze %dma_wait3A_383 : memref<1x1x72xi32, #tpu.memory_space<vmem>> -> memref<72xi32, #tpu.memory_space<vmem>>
      %dma_wait3A_385 = arith.constant 0 : i32
      %dma_wait3A_386 = arith.constant 0 : i32
      %dma_wait3A_387 = tpu.memref_slice %arg2[%dma_wait3A_385, %dma_wait3A_386] : memref<1000000x32xf32, #tpu.memory_space<hbm>> -> memref<1000000x32xf32, #tpu.memory_space<hbm>>
      tpu.wait_indirect_dma semaphore(%arg10 : memref<!tpu.dma_semaphore, #tpu.memory_space<semaphore_mem>>) src(%dma_wait3A_387 : memref<1000000x32xf32, #tpu.memory_space<hbm>>) dst(%dma_wait3A_381 : memref<72x32xf32, #tpu.memory_space<vmem>>)
      %dma_wait3A_388 = arith.constant 0 : i32
      %dma_wait3A_389 = arith.constant 6 : i32
      %dma_wait3A_390 = arith.constant 0 : i32
      %dma_wait3A_391 = arith.constant 600 : i32
      %dma_wait3A_392 = arith.constant 0 : i32
      %dma_wait3A_393 = tpu.memref_slice %arg6[%dma_wait3A_390, %dma_wait3A_391, %dma_wait3A_392] : memref<2x800x32xf32, #tpu.memory_space<vmem>> -> memref<1x128x32xf32, #tpu.memory_space<vmem>>
      %dma_wait3A_394 = tpu.memref_squeeze %dma_wait3A_393 : memref<1x128x32xf32, #tpu.memory_space<vmem>> -> memref<128x32xf32, #tpu.memory_space<vmem>>
      %dma_wait3A_395 = arith.constant 0 : i32
      %dma_wait3A_396 = tpu.memref_slice %arg5[%dma_wait3A_388, %dma_wait3A_389, %dma_wait3A_395] : memref<2x8x128xi32, #tpu.memory_space<vmem>> -> memref<1x1x128xi32, #tpu.memory_space<vmem>>
      %dma_wait3A_397 = tpu.memref_squeeze %dma_wait3A_396 : memref<1x1x128xi32, #tpu.memory_space<vmem>> -> memref<128xi32, #tpu.memory_space<vmem>>
      %dma_wait3A_398 = arith.constant 0 : i32
      %dma_wait3A_399 = arith.constant 0 : i32
      %dma_wait3A_400 = tpu.memref_slice %arg2[%dma_wait3A_398, %dma_wait3A_399] : memref<1000000x32xf32, #tpu.memory_space<hbm>> -> memref<1000000x32xf32, #tpu.memory_space<hbm>>
      tpu.wait_indirect_dma semaphore(%arg10 : memref<!tpu.dma_semaphore, #tpu.memory_space<semaphore_mem>>) src(%dma_wait3A_400 : memref<1000000x32xf32, #tpu.memory_space<hbm>>) dst(%dma_wait3A_394 : memref<128x32xf32, #tpu.memory_space<vmem>>)
      %dma_wait3A_401 = arith.constant 0 : i32
      %dma_wait3A_402 = arith.constant 7 : i32
      %dma_wait3A_403 = arith.constant 0 : i32
      %dma_wait3A_404 = arith.constant 728 : i32
      %dma_wait3A_405 = arith.constant 0 : i32
      %dma_wait3A_406 = tpu.memref_slice %arg6[%dma_wait3A_403, %dma_wait3A_404, %dma_wait3A_405] : memref<2x800x32xf32, #tpu.memory_space<vmem>> -> memref<1x72x32xf32, #tpu.memory_space<vmem>>
      %dma_wait3A_407 = tpu.memref_squeeze %dma_wait3A_406 : memref<1x72x32xf32, #tpu.memory_space<vmem>> -> memref<72x32xf32, #tpu.memory_space<vmem>>
      %dma_wait3A_408 = arith.constant 0 : i32
      %dma_wait3A_409 = tpu.memref_slice %arg5[%dma_wait3A_401, %dma_wait3A_402, %dma_wait3A_408] : memref<2x8x128xi32, #tpu.memory_space<vmem>> -> memref<1x1x72xi32, #tpu.memory_space<vmem>>
      %dma_wait3A_410 = tpu.memref_squeeze %dma_wait3A_409 : memref<1x1x72xi32, #tpu.memory_space<vmem>> -> memref<72xi32, #tpu.memory_space<vmem>>
      %dma_wait3A_411 = arith.constant 0 : i32
      %dma_wait3A_412 = arith.constant 0 : i32
      %dma_wait3A_413 = tpu.memref_slice %arg2[%dma_wait3A_411, %dma_wait3A_412] : memref<1000000x32xf32, #tpu.memory_space<hbm>> -> memref<1000000x32xf32, #tpu.memory_space<hbm>>
      tpu.wait_indirect_dma semaphore(%arg10 : memref<!tpu.dma_semaphore, #tpu.memory_space<semaphore_mem>>) src(%dma_wait3A_413 : memref<1000000x32xf32, #tpu.memory_space<hbm>>) dst(%dma_wait3A_407 : memref<72x32xf32, #tpu.memory_space<vmem>>)
      %ge3A = arith.constant 2 : i32
      %ge3A_414 = arith.cmpi sge, %add3A_309, %ge3A : i32
      %convert_element_type3A = arith.extui %ge3A_414 : i1 to i32
      %cond3A = arith.constant 0 : i32
      %cond3A_415 = arith.cmpi ne, %convert_element_type3A, %cond3A : i32
      scf.if %cond3A_415 {
        %dma_wait3A_582 = arith.constant 0 : i32
        %dma_wait3A_583 = arith.constant 0 : i32
        %dma_wait3A_584 = tpu.memref_slice %arg7[%dma_wait3A_582, %dma_wait3A_583] : memref<2x25600xf32, #tpu.memory_space<vmem>> -> memref<1x25600xf32, #tpu.memory_space<vmem>>
        %dma_wait3A_585 = tpu.memref_squeeze %dma_wait3A_584 : memref<1x25600xf32, #tpu.memory_space<vmem>> -> memref<25600xf32, #tpu.memory_space<vmem>>
        %dma_wait3A_586 = arith.constant 0 : i32
        %dma_wait3A_587 = tpu.memref_slice %arg4[%dma_wait3A_586] : memref<26214400xf32, #tpu.memory_space<hbm>> -> memref<25600xf32, #tpu.memory_space<hbm>>
        %dma_wait3A_588 = arith.constant 0 : i32
        %dma_wait3A_589 = tpu.memref_slice %arg4[%dma_wait3A_588] : memref<26214400xf32, #tpu.memory_space<hbm>> -> memref<25600xf32, #tpu.memory_space<hbm>>
        %dma_wait3A_590 = arith.constant 0 : i32
        %dma_wait3A_591 = tpu.memref_slice %arg7[%dma_wait3A_582, %dma_wait3A_590] : memref<2x25600xf32, #tpu.memory_space<vmem>> -> memref<1x25600xf32, #tpu.memory_space<vmem>>
        %dma_wait3A_592 = tpu.memref_squeeze %dma_wait3A_591 : memref<1x25600xf32, #tpu.memory_space<vmem>> -> memref<25600xf32, #tpu.memory_space<vmem>>
        tpu.wait_dma2 semaphore(%arg12 : memref<!tpu.dma_semaphore, #tpu.memory_space<semaphore_mem>>) src(%dma_wait3A_592 : memref<25600xf32, #tpu.memory_space<vmem>>) dst(%dma_wait3A_589 : memref<25600xf32, #tpu.memory_space<hbm>>)
      } else {
      }
      %scan3A_416 = arith.constant 0 : i32
      %scan3A_417 = arith.constant 200 : i32
      %scan3A_418 = arith.addi %scan3A_416, %scan3A_417 : i32
      %scan3A_419 = arith.constant 1 : i32
      scf.for %scan3A_582 = %scan3A_416 to %scan3A_418 step %scan3A_419  : i32 {
        %mul3A_583 = arith.constant 1 : i32
        %mul3A_584 = arith.muli %scan3A_582, %mul3A_583 : i32
        %add3A_585 = arith.constant 0 : i32
        %add3A_586 = arith.addi %add3A_585, %mul3A_584 : i32
        %mul3A_587 = arith.constant 4 : i32
        %mul3A_588 = arith.muli %mul3A_587, %add3A_586 : i32
        %add3A_589 = arith.constant 0 : i32
        %add3A_590 = arith.addi %mul3A_588, %add3A_589 : i32
        %get3A = arith.constant 0 : i32
        %get3A_591 = arith.index_cast %get3A : i32 to index
        %get3A_592 = arith.index_cast %add3A_590 : i32 to index
        %get3A_593 = arith.constant 0 : index
        %get3A_594 = tpu.vector_load %arg6[%get3A_591, %get3A_592, %get3A_593] {strides = array<i32>} : memref<2x800x32xf32, #tpu.memory_space<vmem>>, vector<1x1x16xf32>,
        %get3A_595 = vector.shape_cast %get3A_594 : vector<1x1x16xf32> to vector<16xf32>
        %mul3A_596 = arith.constant 128 : i32
        %mul3A_597 = arith.muli %mul3A_596, %add3A_586 : i32
        %add3A_598 = arith.constant 0 : i32
        %add3A_599 = arith.addi %mul3A_597, %add3A_598 : i32
        %add3A_600 = arith.constant 0 : i32
        %add3A_601 = arith.addi %add3A_599, %add3A_600 : i32
        %swap3A = arith.constant 0 : i32
        %swap3A_602 = arith.index_cast %swap3A : i32 to index
        %swap3A_603 = arith.index_cast %add3A_601 : i32 to index
        %swap3A_604 = tpu.vector_load %arg7[%swap3A_602, %swap3A_603] {strides = array<i32>} : memref<2x25600xf32, #tpu.memory_space<vmem>>, vector<1x16xf32>,
        %swap3A_605 = vector.shape_cast %swap3A_604 : vector<1x16xf32> to vector<16xf32>
        %swap3A_606 = vector.shape_cast %get3A_595 : vector<16xf32> to vector<1x16xf32>
        tpu.vector_store %arg7[%swap3A_602, %swap3A_603], %swap3A_606 {strides = array<i32>} : memref<2x25600xf32, #tpu.memory_space<vmem>>, vector<1x16xf32>,
        %mul3A_607 = arith.constant 4 : i32
        %mul3A_608 = arith.muli %mul3A_607, %add3A_586 : i32
        %add3A_609 = arith.constant 0 : i32
        %add3A_610 = arith.addi %mul3A_608, %add3A_609 : i32
        %get3A_611 = arith.constant 0 : i32
        %get3A_612 = arith.index_cast %get3A_611 : i32 to index
        %get3A_613 = arith.index_cast %add3A_610 : i32 to index
        %get3A_614 = arith.constant 16 : index
        %get3A_615 = tpu.vector_load %arg6[%get3A_612, %get3A_613, %get3A_614] {strides = array<i32>} : memref<2x800x32xf32, #tpu.memory_space<vmem>>, vector<1x1x16xf32>,
        %get3A_616 = vector.shape_cast %get3A_615 : vector<1x1x16xf32> to vector<16xf32>
        %mul3A_617 = arith.constant 128 : i32
        %mul3A_618 = arith.muli %mul3A_617, %add3A_586 : i32
        %add3A_619 = arith.constant 0 : i32
        %add3A_620 = arith.addi %mul3A_618, %add3A_619 : i32
        %add3A_621 = arith.constant 16 : i32
        %add3A_622 = arith.addi %add3A_620, %add3A_621 : i32
        %swap3A_623 = arith.constant 0 : i32
        %swap3A_624 = arith.index_cast %swap3A_623 : i32 to index
        %swap3A_625 = arith.index_cast %add3A_622 : i32 to index
        %swap3A_626 = tpu.vector_load %arg7[%swap3A_624, %swap3A_625] {strides = array<i32>} : memref<2x25600xf32, #tpu.memory_space<vmem>>, vector<1x16xf32>,
        %swap3A_627 = vector.shape_cast %swap3A_626 : vector<1x16xf32> to vector<16xf32>
        %swap3A_628 = vector.shape_cast %get3A_616 : vector<16xf32> to vector<1x16xf32>
        tpu.vector_store %arg7[%swap3A_624, %swap3A_625], %swap3A_628 {strides = array<i32>} : memref<2x25600xf32, #tpu.memory_space<vmem>>, vector<1x16xf32>,
        %mul3A_629 = arith.constant 4 : i32
        %mul3A_630 = arith.muli %mul3A_629, %add3A_586 : i32
        %add3A_631 = arith.constant 1 : i32
        %add3A_632 = arith.addi %mul3A_630, %add3A_631 : i32
        %get3A_633 = arith.constant 0 : i32
        %get3A_634 = arith.index_cast %get3A_633 : i32 to index
        %get3A_635 = arith.index_cast %add3A_632 : i32 to index
        %get3A_636 = arith.constant 0 : index
        %get3A_637 = tpu.vector_load %arg6[%get3A_634, %get3A_635, %get3A_636] {strides = array<i32>} : memref<2x800x32xf32, #tpu.memory_space<vmem>>, vector<1x1x16xf32>,
        %get3A_638 = vector.shape_cast %get3A_637 : vector<1x1x16xf32> to vector<16xf32>
        %mul3A_639 = arith.constant 128 : i32
        %mul3A_640 = arith.muli %mul3A_639, %add3A_586 : i32
        %add3A_641 = arith.constant 32 : i32
        %add3A_642 = arith.addi %mul3A_640, %add3A_641 : i32
        %add3A_643 = arith.constant 0 : i32
        %add3A_644 = arith.addi %add3A_642, %add3A_643 : i32
        %swap3A_645 = arith.constant 0 : i32
        %swap3A_646 = arith.index_cast %swap3A_645 : i32 to index
        %swap3A_647 = arith.index_cast %add3A_644 : i32 to index
        %swap3A_648 = tpu.vector_load %arg7[%swap3A_646, %swap3A_647] {strides = array<i32>} : memref<2x25600xf32, #tpu.memory_space<vmem>>, vector<1x16xf32>,
        %swap3A_649 = vector.shape_cast %swap3A_648 : vector<1x16xf32> to vector<16xf32>
        %swap3A_650 = vector.shape_cast %get3A_638 : vector<16xf32> to vector<1x16xf32>
        tpu.vector_store %arg7[%swap3A_646, %swap3A_647], %swap3A_650 {strides = array<i32>} : memref<2x25600xf32, #tpu.memory_space<vmem>>, vector<1x16xf32>,
        %mul3A_651 = arith.constant 4 : i32
        %mul3A_652 = arith.muli %mul3A_651, %add3A_586 : i32
        %add3A_653 = arith.constant 1 : i32
        %add3A_654 = arith.addi %mul3A_652, %add3A_653 : i32
        %get3A_655 = arith.constant 0 : i32
        %get3A_656 = arith.index_cast %get3A_655 : i32 to index
        %get3A_657 = arith.index_cast %add3A_654 : i32 to index
        %get3A_658 = arith.constant 16 : index
        %get3A_659 = tpu.vector_load %arg6[%get3A_656, %get3A_657, %get3A_658] {strides = array<i32>} : memref<2x800x32xf32, #tpu.memory_space<vmem>>, vector<1x1x16xf32>,
        %get3A_660 = vector.shape_cast %get3A_659 : vector<1x1x16xf32> to vector<16xf32>
        %mul3A_661 = arith.constant 128 : i32
        %mul3A_662 = arith.muli %mul3A_661, %add3A_586 : i32
        %add3A_663 = arith.constant 32 : i32
        %add3A_664 = arith.addi %mul3A_662, %add3A_663 : i32
        %add3A_665 = arith.constant 16 : i32
        %add3A_666 = arith.addi %add3A_664, %add3A_665 : i32
        %swap3A_667 = arith.constant 0 : i32
        %swap3A_668 = arith.index_cast %swap3A_667 : i32 to index
        %swap3A_669 = arith.index_cast %add3A_666 : i32 to index
        %swap3A_670 = tpu.vector_load %arg7[%swap3A_668, %swap3A_669] {strides = array<i32>} : memref<2x25600xf32, #tpu.memory_space<vmem>>, vector<1x16xf32>,
        %swap3A_671 = vector.shape_cast %swap3A_670 : vector<1x16xf32> to vector<16xf32>
        %swap3A_672 = vector.shape_cast %get3A_660 : vector<16xf32> to vector<1x16xf32>
        tpu.vector_store %arg7[%swap3A_668, %swap3A_669], %swap3A_672 {strides = array<i32>} : memref<2x25600xf32, #tpu.memory_space<vmem>>, vector<1x16xf32>,
        %mul3A_673 = arith.constant 4 : i32
        %mul3A_674 = arith.muli %mul3A_673, %add3A_586 : i32
        %add3A_675 = arith.constant 2 : i32
        %add3A_676 = arith.addi %mul3A_674, %add3A_675 : i32
        %get3A_677 = arith.constant 0 : i32
        %get3A_678 = arith.index_cast %get3A_677 : i32 to index
        %get3A_679 = arith.index_cast %add3A_676 : i32 to index
        %get3A_680 = arith.constant 0 : index
        %get3A_681 = tpu.vector_load %arg6[%get3A_678, %get3A_679, %get3A_680] {strides = array<i32>} : memref<2x800x32xf32, #tpu.memory_space<vmem>>, vector<1x1x16xf32>,
        %get3A_682 = vector.shape_cast %get3A_681 : vector<1x1x16xf32> to vector<16xf32>
        %mul3A_683 = arith.constant 128 : i32
        %mul3A_684 = arith.muli %mul3A_683, %add3A_586 : i32
        %add3A_685 = arith.constant 64 : i32
        %add3A_686 = arith.addi %mul3A_684, %add3A_685 : i32
        %add3A_687 = arith.constant 0 : i32
        %add3A_688 = arith.addi %add3A_686, %add3A_687 : i32
        %swap3A_689 = arith.constant 0 : i32
        %swap3A_690 = arith.index_cast %swap3A_689 : i32 to index
        %swap3A_691 = arith.index_cast %add3A_688 : i32 to index
        %swap3A_692 = tpu.vector_load %arg7[%swap3A_690, %swap3A_691] {strides = array<i32>} : memref<2x25600xf32, #tpu.memory_space<vmem>>, vector<1x16xf32>,
        %swap3A_693 = vector.shape_cast %swap3A_692 : vector<1x16xf32> to vector<16xf32>
        %swap3A_694 = vector.shape_cast %get3A_682 : vector<16xf32> to vector<1x16xf32>
        tpu.vector_store %arg7[%swap3A_690, %swap3A_691], %swap3A_694 {strides = array<i32>} : memref<2x25600xf32, #tpu.memory_space<vmem>>, vector<1x16xf32>,
        %mul3A_695 = arith.constant 4 : i32
        %mul3A_696 = arith.muli %mul3A_695, %add3A_586 : i32
        %add3A_697 = arith.constant 2 : i32
        %add3A_698 = arith.addi %mul3A_696, %add3A_697 : i32
        %get3A_699 = arith.constant 0 : i32
        %get3A_700 = arith.index_cast %get3A_699 : i32 to index
        %get3A_701 = arith.index_cast %add3A_698 : i32 to index
        %get3A_702 = arith.constant 16 : index
        %get3A_703 = tpu.vector_load %arg6[%get3A_700, %get3A_701, %get3A_702] {strides = array<i32>} : memref<2x800x32xf32, #tpu.memory_space<vmem>>, vector<1x1x16xf32>,
        %get3A_704 = vector.shape_cast %get3A_703 : vector<1x1x16xf32> to vector<16xf32>
        %mul3A_705 = arith.constant 128 : i32
        %mul3A_706 = arith.muli %mul3A_705, %add3A_586 : i32
        %add3A_707 = arith.constant 64 : i32
        %add3A_708 = arith.addi %mul3A_706, %add3A_707 : i32
        %add3A_709 = arith.constant 16 : i32
        %add3A_710 = arith.addi %add3A_708, %add3A_709 : i32
        %swap3A_711 = arith.constant 0 : i32
        %swap3A_712 = arith.index_cast %swap3A_711 : i32 to index
        %swap3A_713 = arith.index_cast %add3A_710 : i32 to index
        %swap3A_714 = tpu.vector_load %arg7[%swap3A_712, %swap3A_713] {strides = array<i32>} : memref<2x25600xf32, #tpu.memory_space<vmem>>, vector<1x16xf32>,
        %swap3A_715 = vector.shape_cast %swap3A_714 : vector<1x16xf32> to vector<16xf32>
        %swap3A_716 = vector.shape_cast %get3A_704 : vector<16xf32> to vector<1x16xf32>
        tpu.vector_store %arg7[%swap3A_712, %swap3A_713], %swap3A_716 {strides = array<i32>} : memref<2x25600xf32, #tpu.memory_space<vmem>>, vector<1x16xf32>,
        %mul3A_717 = arith.constant 4 : i32
        %mul3A_718 = arith.muli %mul3A_717, %add3A_586 : i32
        %add3A_719 = arith.constant 3 : i32
        %add3A_720 = arith.addi %mul3A_718, %add3A_719 : i32
        %get3A_721 = arith.constant 0 : i32
        %get3A_722 = arith.index_cast %get3A_721 : i32 to index
        %get3A_723 = arith.index_cast %add3A_720 : i32 to index
        %get3A_724 = arith.constant 0 : index
        %get3A_725 = tpu.vector_load %arg6[%get3A_722, %get3A_723, %get3A_724] {strides = array<i32>} : memref<2x800x32xf32, #tpu.memory_space<vmem>>, vector<1x1x16xf32>,
        %get3A_726 = vector.shape_cast %get3A_725 : vector<1x1x16xf32> to vector<16xf32>
        %mul3A_727 = arith.constant 128 : i32
        %mul3A_728 = arith.muli %mul3A_727, %add3A_586 : i32
        %add3A_729 = arith.constant 96 : i32
        %add3A_730 = arith.addi %mul3A_728, %add3A_729 : i32
        %add3A_731 = arith.constant 0 : i32
        %add3A_732 = arith.addi %add3A_730, %add3A_731 : i32
        %swap3A_733 = arith.constant 0 : i32
        %swap3A_734 = arith.index_cast %swap3A_733 : i32 to index
        %swap3A_735 = arith.index_cast %add3A_732 : i32 to index
        %swap3A_736 = tpu.vector_load %arg7[%swap3A_734, %swap3A_735] {strides = array<i32>} : memref<2x25600xf32, #tpu.memory_space<vmem>>, vector<1x16xf32>,
        %swap3A_737 = vector.shape_cast %swap3A_736 : vector<1x16xf32> to vector<16xf32>
        %swap3A_738 = vector.shape_cast %get3A_726 : vector<16xf32> to vector<1x16xf32>
        tpu.vector_store %arg7[%swap3A_734, %swap3A_735], %swap3A_738 {strides = array<i32>} : memref<2x25600xf32, #tpu.memory_space<vmem>>, vector<1x16xf32>,
        %mul3A_739 = arith.constant 4 : i32
        %mul3A_740 = arith.muli %mul3A_739, %add3A_586 : i32
        %add3A_741 = arith.constant 3 : i32
        %add3A_742 = arith.addi %mul3A_740, %add3A_741 : i32
        %get3A_743 = arith.constant 0 : i32
        %get3A_744 = arith.index_cast %get3A_743 : i32 to index
        %get3A_745 = arith.index_cast %add3A_742 : i32 to index
        %get3A_746 = arith.constant 16 : index
        %get3A_747 = tpu.vector_load %arg6[%get3A_744, %get3A_745, %get3A_746] {strides = array<i32>} : memref<2x800x32xf32, #tpu.memory_space<vmem>>, vector<1x1x16xf32>,
        %get3A_748 = vector.shape_cast %get3A_747 : vector<1x1x16xf32> to vector<16xf32>
        %mul3A_749 = arith.constant 128 : i32
        %mul3A_750 = arith.muli %mul3A_749, %add3A_586 : i32
        %add3A_751 = arith.constant 96 : i32
        %add3A_752 = arith.addi %mul3A_750, %add3A_751 : i32
        %add3A_753 = arith.constant 16 : i32
        %add3A_754 = arith.addi %add3A_752, %add3A_753 : i32
        %swap3A_755 = arith.constant 0 : i32
        %swap3A_756 = arith.index_cast %swap3A_755 : i32 to index
        %swap3A_757 = arith.index_cast %add3A_754 : i32 to index
        %swap3A_758 = tpu.vector_load %arg7[%swap3A_756, %swap3A_757] {strides = array<i32>} : memref<2x25600xf32, #tpu.memory_space<vmem>>, vector<1x16xf32>,
        %swap3A_759 = vector.shape_cast %swap3A_758 : vector<1x16xf32> to vector<16xf32>
        %swap3A_760 = vector.shape_cast %get3A_748 : vector<16xf32> to vector<1x16xf32>
        tpu.vector_store %arg7[%swap3A_756, %swap3A_757], %swap3A_760 {strides = array<i32>} : memref<2x25600xf32, #tpu.memory_space<vmem>>, vector<1x16xf32>,
      }
      %scan3A_420 = arith.constant 200 : i32
      %mul3A_421 = arith.constant 4 : i32
      %mul3A_422 = arith.muli %add3A_309, %mul3A_421 : i32
      %add3A_423 = arith.addi %mul3A_2, %mul3A_422 : i32
      %mul3A_424 = arith.constant 200 : i32
      %mul3A_425 = arith.muli %add3A_423, %mul3A_424 : i32
      %mul3A_426 = arith.constant 32 : i32
      %mul3A_427 = arith.muli %mul3A_425, %mul3A_426 : i32
      %dma_start3A_428 = arith.constant 0 : i32
      %dma_start3A_429 = arith.constant 0 : i32
      %dma_start3A_430 = tpu.memref_slice %arg7[%dma_start3A_428, %dma_start3A_429] : memref<2x25600xf32, #tpu.memory_space<vmem>> -> memref<1x25600xf32, #tpu.memory_space<vmem>>
      %dma_start3A_431 = tpu.memref_squeeze %dma_start3A_430 : memref<1x25600xf32, #tpu.memory_space<vmem>> -> memref<25600xf32, #tpu.memory_space<vmem>>
      %dma_start3A_432 = tpu.memref_slice %arg4[%mul3A_427] : memref<26214400xf32, #tpu.memory_space<hbm>> -> memref<25600xf32, #tpu.memory_space<hbm>>
      %dma_start3A_433 = tpu.memref_slice %arg4[%mul3A_427] : memref<26214400xf32, #tpu.memory_space<hbm>> -> memref<25600xf32, #tpu.memory_space<hbm>>
      %dma_start3A_434 = arith.constant 0 : i32
      %dma_start3A_435 = tpu.memref_slice %arg7[%dma_start3A_428, %dma_start3A_434] : memref<2x25600xf32, #tpu.memory_space<vmem>> -> memref<1x25600xf32, #tpu.memory_space<vmem>>
      %dma_start3A_436 = tpu.memref_squeeze %dma_start3A_435 : memref<1x25600xf32, #tpu.memory_space<vmem>> -> memref<25600xf32, #tpu.memory_space<vmem>>
      tpu.enqueue_dma source(%dma_start3A_436 : memref<25600xf32, #tpu.memory_space<vmem>>) target(%dma_start3A_433 : memref<25600xf32, #tpu.memory_space<hbm>>) target_semaphore(%arg12 : memref<!tpu.dma_semaphore, #tpu.memory_space<semaphore_mem>>)
      %add3A_437 = arith.constant 2 : i32
      %add3A_438 = arith.addi %add3A_309, %add3A_437 : i32
      %lt3A = arith.constant 32 : i32
      %lt3A_439 = arith.cmpi slt, %add3A_438, %lt3A : i32
      %convert_element_type3A_440 = arith.extui %lt3A_439 : i1 to i32
      %cond3A_441 = arith.constant 0 : i32
      %cond3A_442 = arith.cmpi ne, %convert_element_type3A_440, %cond3A_441 : i32
      scf.if %cond3A_442 {
        %add3A_582 = arith.constant 2 : i32
        %add3A_583 = arith.addi %add3A_309, %add3A_582 : i32
        %mul3A_584 = arith.constant 4 : i32
        %mul3A_585 = arith.muli %add3A_583, %mul3A_584 : i32
        %add3A_586 = arith.addi %mul3A_2, %mul3A_585 : i32
        %mul3A_587 = arith.constant 2 : i32
        %mul3A_588 = arith.muli %mul3A_587, %add3A_586 : i32
        %dma_start3A_589 = arith.constant 0 : i32
        %dma_start3A_590 = arith.constant 0 : i32
        %dma_start3A_591 = arith.constant 0 : i32
        %dma_start3A_592 = tpu.memref_slice %arg5[%dma_start3A_589, %dma_start3A_590, %dma_start3A_591] : memref<2x8x128xi32, #tpu.memory_space<vmem>> -> memref<1x8x128xi32, #tpu.memory_space<vmem>>
        %dma_start3A_593 = tpu.memref_squeeze %dma_start3A_592 : memref<1x8x128xi32, #tpu.memory_space<vmem>> -> memref<8x128xi32, #tpu.memory_space<vmem>>
        %dma_start3A_594 = arith.constant 0 : i32
        %dma_start3A_595 = tpu.memref_slice %arg3[%mul3A_588, %dma_start3A_594] : memref<8192x128xi32, #tpu.memory_space<hbm>> -> memref<8x128xi32, #tpu.memory_space<hbm>>
        %dma_start3A_596 = arith.constant 0 : i32
        %dma_start3A_597 = arith.constant 0 : i32
        %dma_start3A_598 = tpu.memref_slice %arg5[%dma_start3A_589, %dma_start3A_596, %dma_start3A_597] : memref<2x8x128xi32, #tpu.memory_space<vmem>> -> memref<1x8x128xi32, #tpu.memory_space<vmem>>
        %dma_start3A_599 = tpu.memref_squeeze %dma_start3A_598 : memref<1x8x128xi32, #tpu.memory_space<vmem>> -> memref<8x128xi32, #tpu.memory_space<vmem>>
        %dma_start3A_600 = arith.constant 0 : i32
        %dma_start3A_601 = tpu.memref_slice %arg3[%mul3A_588, %dma_start3A_600] : memref<8192x128xi32, #tpu.memory_space<hbm>> -> memref<8x128xi32, #tpu.memory_space<hbm>>
        tpu.enqueue_dma source(%dma_start3A_601 : memref<8x128xi32, #tpu.memory_space<hbm>>) target(%dma_start3A_599 : memref<8x128xi32, #tpu.memory_space<vmem>>) target_semaphore(%arg8 : memref<!tpu.dma_semaphore, #tpu.memory_space<semaphore_mem>>)
      } else {
      }
      %add3A_443 = arith.constant 1 : i32
      %add3A_444 = arith.addi %add3A_65, %add3A_443 : i32
      %dma_wait3A_445 = arith.constant 1 : i32
      %dma_wait3A_446 = arith.constant 0 : i32
      %dma_wait3A_447 = arith.constant 1 : i32
      %dma_wait3A_448 = arith.constant 0 : i32
      %dma_wait3A_449 = arith.constant 0 : i32
      %dma_wait3A_450 = tpu.memref_slice %arg6[%dma_wait3A_447, %dma_wait3A_448, %dma_wait3A_449] : memref<2x800x32xf32, #tpu.memory_space<vmem>> -> memref<1x128x32xf32, #tpu.memory_space<vmem>>
      %dma_wait3A_451 = tpu.memref_squeeze %dma_wait3A_450 : memref<1x128x32xf32, #tpu.memory_space<vmem>> -> memref<128x32xf32, #tpu.memory_space<vmem>>
      %dma_wait3A_452 = arith.constant 0 : i32
      %dma_wait3A_453 = tpu.memref_slice %arg5[%dma_wait3A_445, %dma_wait3A_446, %dma_wait3A_452] : memref<2x8x128xi32, #tpu.memory_space<vmem>> -> memref<1x1x128xi32, #tpu.memory_space<vmem>>
      %dma_wait3A_454 = tpu.memref_squeeze %dma_wait3A_453 : memref<1x1x128xi32, #tpu.memory_space<vmem>> -> memref<128xi32, #tpu.memory_space<vmem>>
      %dma_wait3A_455 = arith.constant 0 : i32
      %dma_wait3A_456 = arith.constant 0 : i32
      %dma_wait3A_457 = tpu.memref_slice %arg2[%dma_wait3A_455, %dma_wait3A_456] : memref<1000000x32xf32, #tpu.memory_space<hbm>> -> memref<1000000x32xf32, #tpu.memory_space<hbm>>
      tpu.wait_indirect_dma semaphore(%arg11 : memref<!tpu.dma_semaphore, #tpu.memory_space<semaphore_mem>>) src(%dma_wait3A_457 : memref<1000000x32xf32, #tpu.memory_space<hbm>>) dst(%dma_wait3A_451 : memref<128x32xf32, #tpu.memory_space<vmem>>)
      %dma_wait3A_458 = arith.constant 1 : i32
      %dma_wait3A_459 = arith.constant 1 : i32
      %dma_wait3A_460 = arith.constant 1 : i32
      %dma_wait3A_461 = arith.constant 128 : i32
      %dma_wait3A_462 = arith.constant 0 : i32
      %dma_wait3A_463 = tpu.memref_slice %arg6[%dma_wait3A_460, %dma_wait3A_461, %dma_wait3A_462] : memref<2x800x32xf32, #tpu.memory_space<vmem>> -> memref<1x72x32xf32, #tpu.memory_space<vmem>>
      %dma_wait3A_464 = tpu.memref_squeeze %dma_wait3A_463 : memref<1x72x32xf32, #tpu.memory_space<vmem>> -> memref<72x32xf32, #tpu.memory_space<vmem>>
      %dma_wait3A_465 = arith.constant 0 : i32
      %dma_wait3A_466 = tpu.memref_slice %arg5[%dma_wait3A_458, %dma_wait3A_459, %dma_wait3A_465] : memref<2x8x128xi32, #tpu.memory_space<vmem>> -> memref<1x1x72xi32, #tpu.memory_space<vmem>>
      %dma_wait3A_467 = tpu.memref_squeeze %dma_wait3A_466 : memref<1x1x72xi32, #tpu.memory_space<vmem>> -> memref<72xi32, #tpu.memory_space<vmem>>
      %dma_wait3A_468 = arith.constant 0 : i32
      %dma_wait3A_469 = arith.constant 0 : i32
      %dma_wait3A_470 = tpu.memref_slice %arg2[%dma_wait3A_468, %dma_wait3A_469] : memref<1000000x32xf32, #tpu.memory_space<hbm>> -> memref<1000000x32xf32, #tpu.memory_space<hbm>>
      tpu.wait_indirect_dma semaphore(%arg11 : memref<!tpu.dma_semaphore, #tpu.memory_space<semaphore_mem>>) src(%dma_wait3A_470 : memref<1000000x32xf32, #tpu.memory_space<hbm>>) dst(%dma_wait3A_464 : memref<72x32xf32, #tpu.memory_space<vmem>>)
      %dma_wait3A_471 = arith.constant 1 : i32
      %dma_wait3A_472 = arith.constant 2 : i32
      %dma_wait3A_473 = arith.constant 1 : i32
      %dma_wait3A_474 = arith.constant 200 : i32
      %dma_wait3A_475 = arith.constant 0 : i32
      %dma_wait3A_476 = tpu.memref_slice %arg6[%dma_wait3A_473, %dma_wait3A_474, %dma_wait3A_475] : memref<2x800x32xf32, #tpu.memory_space<vmem>> -> memref<1x128x32xf32, #tpu.memory_space<vmem>>
      %dma_wait3A_477 = tpu.memref_squeeze %dma_wait3A_476 : memref<1x128x32xf32, #tpu.memory_space<vmem>> -> memref<128x32xf32, #tpu.memory_space<vmem>>
      %dma_wait3A_478 = arith.constant 0 : i32
      %dma_wait3A_479 = tpu.memref_slice %arg5[%dma_wait3A_471, %dma_wait3A_472, %dma_wait3A_478] : memref<2x8x128xi32, #tpu.memory_space<vmem>> -> memref<1x1x128xi32, #tpu.memory_space<vmem>>
      %dma_wait3A_480 = tpu.memref_squeeze %dma_wait3A_479 : memref<1x1x128xi32, #tpu.memory_space<vmem>> -> memref<128xi32, #tpu.memory_space<vmem>>
      %dma_wait3A_481 = arith.constant 0 : i32
      %dma_wait3A_482 = arith.constant 0 : i32
      %dma_wait3A_483 = tpu.memref_slice %arg2[%dma_wait3A_481, %dma_wait3A_482] : memref<1000000x32xf32, #tpu.memory_space<hbm>> -> memref<1000000x32xf32, #tpu.memory_space<hbm>>
      tpu.wait_indirect_dma semaphore(%arg11 : memref<!tpu.dma_semaphore, #tpu.memory_space<semaphore_mem>>) src(%dma_wait3A_483 : memref<1000000x32xf32, #tpu.memory_space<hbm>>) dst(%dma_wait3A_477 : memref<128x32xf32, #tpu.memory_space<vmem>>)
      %dma_wait3A_484 = arith.constant 1 : i32
      %dma_wait3A_485 = arith.constant 3 : i32
      %dma_wait3A_486 = arith.constant 1 : i32
      %dma_wait3A_487 = arith.constant 328 : i32
      %dma_wait3A_488 = arith.constant 0 : i32
      %dma_wait3A_489 = tpu.memref_slice %arg6[%dma_wait3A_486, %dma_wait3A_487, %dma_wait3A_488] : memref<2x800x32xf32, #tpu.memory_space<vmem>> -> memref<1x72x32xf32, #tpu.memory_space<vmem>>
      %dma_wait3A_490 = tpu.memref_squeeze %dma_wait3A_489 : memref<1x72x32xf32, #tpu.memory_space<vmem>> -> memref<72x32xf32, #tpu.memory_space<vmem>>
      %dma_wait3A_491 = arith.constant 0 : i32
      %dma_wait3A_492 = tpu.memref_slice %arg5[%dma_wait3A_484, %dma_wait3A_485, %dma_wait3A_491] : memref<2x8x128xi32, #tpu.memory_space<vmem>> -> memref<1x1x72xi32, #tpu.memory_space<vmem>>
      %dma_wait3A_493 = tpu.memref_squeeze %dma_wait3A_492 : memref<1x1x72xi32, #tpu.memory_space<vmem>> -> memref<72xi32, #tpu.memory_space<vmem>>
      %dma_wait3A_494 = arith.constant 0 : i32
      %dma_wait3A_495 = arith.constant 0 : i32
      %dma_wait3A_496 = tpu.memref_slice %arg2[%dma_wait3A_494, %dma_wait3A_495] : memref<1000000x32xf32, #tpu.memory_space<hbm>> -> memref<1000000x32xf32, #tpu.memory_space<hbm>>
      tpu.wait_indirect_dma semaphore(%arg11 : memref<!tpu.dma_semaphore, #tpu.memory_space<semaphore_mem>>) src(%dma_wait3A_496 : memref<1000000x32xf32, #tpu.memory_space<hbm>>) dst(%dma_wait3A_490 : memref<72x32xf32, #tpu.memory_space<vmem>>)
      %dma_wait3A_497 = arith.constant 1 : i32
      %dma_wait3A_498 = arith.constant 4 : i32
      %dma_wait3A_499 = arith.constant 1 : i32
      %dma_wait3A_500 = arith.constant 400 : i32
      %dma_wait3A_501 = arith.constant 0 : i32
      %dma_wait3A_502 = tpu.memref_slice %arg6[%dma_wait3A_499, %dma_wait3A_500, %dma_wait3A_501] : memref<2x800x32xf32, #tpu.memory_space<vmem>> -> memref<1x128x32xf32, #tpu.memory_space<vmem>>
      %dma_wait3A_503 = tpu.memref_squeeze %dma_wait3A_502 : memref<1x128x32xf32, #tpu.memory_space<vmem>> -> memref<128x32xf32, #tpu.memory_space<vmem>>
      %dma_wait3A_504 = arith.constant 0 : i32
      %dma_wait3A_505 = tpu.memref_slice %arg5[%dma_wait3A_497, %dma_wait3A_498, %dma_wait3A_504] : memref<2x8x128xi32, #tpu.memory_space<vmem>> -> memref<1x1x128xi32, #tpu.memory_space<vmem>>
      %dma_wait3A_506 = tpu.memref_squeeze %dma_wait3A_505 : memref<1x1x128xi32, #tpu.memory_space<vmem>> -> memref<128xi32, #tpu.memory_space<vmem>>
      %dma_wait3A_507 = arith.constant 0 : i32
      %dma_wait3A_508 = arith.constant 0 : i32
      %dma_wait3A_509 = tpu.memref_slice %arg2[%dma_wait3A_507, %dma_wait3A_508] : memref<1000000x32xf32, #tpu.memory_space<hbm>> -> memref<1000000x32xf32, #tpu.memory_space<hbm>>
      tpu.wait_indirect_dma semaphore(%arg11 : memref<!tpu.dma_semaphore, #tpu.memory_space<semaphore_mem>>) src(%dma_wait3A_509 : memref<1000000x32xf32, #tpu.memory_space<hbm>>) dst(%dma_wait3A_503 : memref<128x32xf32, #tpu.memory_space<vmem>>)
      %dma_wait3A_510 = arith.constant 1 : i32
      %dma_wait3A_511 = arith.constant 5 : i32
      %dma_wait3A_512 = arith.constant 1 : i32
      %dma_wait3A_513 = arith.constant 528 : i32
      %dma_wait3A_514 = arith.constant 0 : i32
      %dma_wait3A_515 = tpu.memref_slice %arg6[%dma_wait3A_512, %dma_wait3A_513, %dma_wait3A_514] : memref<2x800x32xf32, #tpu.memory_space<vmem>> -> memref<1x72x32xf32, #tpu.memory_space<vmem>>
      %dma_wait3A_516 = tpu.memref_squeeze %dma_wait3A_515 : memref<1x72x32xf32, #tpu.memory_space<vmem>> -> memref<72x32xf32, #tpu.memory_space<vmem>>
      %dma_wait3A_517 = arith.constant 0 : i32
      %dma_wait3A_518 = tpu.memref_slice %arg5[%dma_wait3A_510, %dma_wait3A_511, %dma_wait3A_517] : memref<2x8x128xi32, #tpu.memory_space<vmem>> -> memref<1x1x72xi32, #tpu.memory_space<vmem>>
      %dma_wait3A_519 = tpu.memref_squeeze %dma_wait3A_518 : memref<1x1x72xi32, #tpu.memory_space<vmem>> -> memref<72xi32, #tpu.memory_space<vmem>>
      %dma_wait3A_520 = arith.constant 0 : i32
      %dma_wait3A_521 = arith.constant 0 : i32
      %dma_wait3A_522 = tpu.memref_slice %arg2[%dma_wait3A_520, %dma_wait3A_521] : memref<1000000x32xf32, #tpu.memory_space<hbm>> -> memref<1000000x32xf32, #tpu.memory_space<hbm>>
      tpu.wait_indirect_dma semaphore(%arg11 : memref<!tpu.dma_semaphore, #tpu.memory_space<semaphore_mem>>) src(%dma_wait3A_522 : memref<1000000x32xf32, #tpu.memory_space<hbm>>) dst(%dma_wait3A_516 : memref<72x32xf32, #tpu.memory_space<vmem>>)
      %dma_wait3A_523 = arith.constant 1 : i32
      %dma_wait3A_524 = arith.constant 6 : i32
      %dma_wait3A_525 = arith.constant 1 : i32
      %dma_wait3A_526 = arith.constant 600 : i32
      %dma_wait3A_527 = arith.constant 0 : i32
      %dma_wait3A_528 = tpu.memref_slice %arg6[%dma_wait3A_525, %dma_wait3A_526, %dma_wait3A_527] : memref<2x800x32xf32, #tpu.memory_space<vmem>> -> memref<1x128x32xf32, #tpu.memory_space<vmem>>
      %dma_wait3A_529 = tpu.memref_squeeze %dma_wait3A_528 : memref<1x128x32xf32, #tpu.memory_space<vmem>> -> memref<128x32xf32, #tpu.memory_space<vmem>>
      %dma_wait3A_530 = arith.constant 0 : i32
      %dma_wait3A_531 = tpu.memref_slice %arg5[%dma_wait3A_523, %dma_wait3A_524, %dma_wait3A_530] : memref<2x8x128xi32, #tpu.memory_space<vmem>> -> memref<1x1x128xi32, #tpu.memory_space<vmem>>
      %dma_wait3A_532 = tpu.memref_squeeze %dma_wait3A_531 : memref<1x1x128xi32, #tpu.memory_space<vmem>> -> memref<128xi32, #tpu.memory_space<vmem>>
      %dma_wait3A_533 = arith.constant 0 : i32
      %dma_wait3A_534 = arith.constant 0 : i32
      %dma_wait3A_535 = tpu.memref_slice %arg2[%dma_wait3A_533, %dma_wait3A_534] : memref<1000000x32xf32, #tpu.memory_space<hbm>> -> memref<1000000x32xf32, #tpu.memory_space<hbm>>
      tpu.wait_indirect_dma semaphore(%arg11 : memref<!tpu.dma_semaphore, #tpu.memory_space<semaphore_mem>>) src(%dma_wait3A_535 : memref<1000000x32xf32, #tpu.memory_space<hbm>>) dst(%dma_wait3A_529 : memref<128x32xf32, #tpu.memory_space<vmem>>)
      %dma_wait3A_536 = arith.constant 1 : i32
      %dma_wait3A_537 = arith.constant 7 : i32
      %dma_wait3A_538 = arith.constant 1 : i32
      %dma_wait3A_539 = arith.constant 728 : i32
      %dma_wait3A_540 = arith.constant 0 : i32
      %dma_wait3A_541 = tpu.memref_slice %arg6[%dma_wait3A_538, %dma_wait3A_539, %dma_wait3A_540] : memref<2x800x32xf32, #tpu.memory_space<vmem>> -> memref<1x72x32xf32, #tpu.memory_space<vmem>>
      %dma_wait3A_542 = tpu.memref_squeeze %dma_wait3A_541 : memref<1x72x32xf32, #tpu.memory_space<vmem>> -> memref<72x32xf32, #tpu.memory_space<vmem>>
      %dma_wait3A_543 = arith.constant 0 : i32
      %dma_wait3A_544 = tpu.memref_slice %arg5[%dma_wait3A_536, %dma_wait3A_537, %dma_wait3A_543] : memref<2x8x128xi32, #tpu.memory_space<vmem>> -> memref<1x1x72xi32, #tpu.memory_space<vmem>>
      %dma_wait3A_545 = tpu.memref_squeeze %dma_wait3A_544 : memref<1x1x72xi32, #tpu.memory_space<vmem>> -> memref<72xi32, #tpu.memory_space<vmem>>
      %dma_wait3A_546 = arith.constant 0 : i32
      %dma_wait3A_547 = arith.constant 0 : i32
      %dma_wait3A_548 = tpu.memref_slice %arg2[%dma_wait3A_546, %dma_wait3A_547] : memref<1000000x32xf32, #tpu.memory_space<hbm>> -> memref<1000000x32xf32, #tpu.memory_space<hbm>>
      tpu.wait_indirect_dma semaphore(%arg11 : memref<!tpu.dma_semaphore, #tpu.memory_space<semaphore_mem>>) src(%dma_wait3A_548 : memref<1000000x32xf32, #tpu.memory_space<hbm>>) dst(%dma_wait3A_542 : memref<72x32xf32, #tpu.memory_space<vmem>>)
      %ge3A_549 = arith.constant 2 : i32
      %ge3A_550 = arith.cmpi sge, %add3A_444, %ge3A_549 : i32
      %convert_element_type3A_551 = arith.extui %ge3A_550 : i1 to i32
      %cond3A_552 = arith.constant 0 : i32
      %cond3A_553 = arith.cmpi ne, %convert_element_type3A_551, %cond3A_552 : i32
      scf.if %cond3A_553 {
        %dma_wait3A_582 = arith.constant 1 : i32
        %dma_wait3A_583 = arith.constant 0 : i32
        %dma_wait3A_584 = tpu.memref_slice %arg7[%dma_wait3A_582, %dma_wait3A_583] : memref<2x25600xf32, #tpu.memory_space<vmem>> -> memref<1x25600xf32, #tpu.memory_space<vmem>>
        %dma_wait3A_585 = tpu.memref_squeeze %dma_wait3A_584 : memref<1x25600xf32, #tpu.memory_space<vmem>> -> memref<25600xf32, #tpu.memory_space<vmem>>
        %dma_wait3A_586 = arith.constant 0 : i32
        %dma_wait3A_587 = tpu.memref_slice %arg4[%dma_wait3A_586] : memref<26214400xf32, #tpu.memory_space<hbm>> -> memref<25600xf32, #tpu.memory_space<hbm>>
        %dma_wait3A_588 = arith.constant 0 : i32
        %dma_wait3A_589 = tpu.memref_slice %arg4[%dma_wait3A_588] : memref<26214400xf32, #tpu.memory_space<hbm>> -> memref<25600xf32, #tpu.memory_space<hbm>>
        %dma_wait3A_590 = arith.constant 0 : i32
        %dma_wait3A_591 = tpu.memref_slice %arg7[%dma_wait3A_582, %dma_wait3A_590] : memref<2x25600xf32, #tpu.memory_space<vmem>> -> memref<1x25600xf32, #tpu.memory_space<vmem>>
        %dma_wait3A_592 = tpu.memref_squeeze %dma_wait3A_591 : memref<1x25600xf32, #tpu.memory_space<vmem>> -> memref<25600xf32, #tpu.memory_space<vmem>>
        tpu.wait_dma2 semaphore(%arg13 : memref<!tpu.dma_semaphore, #tpu.memory_space<semaphore_mem>>) src(%dma_wait3A_592 : memref<25600xf32, #tpu.memory_space<vmem>>) dst(%dma_wait3A_589 : memref<25600xf32, #tpu.memory_space<hbm>>)
      } else {
      }
      %scan3A_554 = arith.constant 0 : i32
      %scan3A_555 = arith.constant 200 : i32
      %scan3A_556 = arith.addi %scan3A_554, %scan3A_555 : i32
      %scan3A_557 = arith.constant 1 : i32
      scf.for %scan3A_582 = %scan3A_554 to %scan3A_556 step %scan3A_557  : i32 {
        %mul3A_583 = arith.constant 1 : i32
        %mul3A_584 = arith.muli %scan3A_582, %mul3A_583 : i32
        %add3A_585 = arith.constant 0 : i32
        %add3A_586 = arith.addi %add3A_585, %mul3A_584 : i32
        %mul3A_587 = arith.constant 4 : i32
        %mul3A_588 = arith.muli %mul3A_587, %add3A_586 : i32
        %add3A_589 = arith.constant 0 : i32
        %add3A_590 = arith.addi %mul3A_588, %add3A_589 : i32
        %get3A = arith.constant 1 : i32
        %get3A_591 = arith.index_cast %get3A : i32 to index
        %get3A_592 = arith.index_cast %add3A_590 : i32 to index
        %get3A_593 = arith.constant 0 : index
        %get3A_594 = tpu.vector_load %arg6[%get3A_591, %get3A_592, %get3A_593] {strides = array<i32>} : memref<2x800x32xf32, #tpu.memory_space<vmem>>, vector<1x1x16xf32>,
        %get3A_595 = vector.shape_cast %get3A_594 : vector<1x1x16xf32> to vector<16xf32>
        %mul3A_596 = arith.constant 128 : i32
        %mul3A_597 = arith.muli %mul3A_596, %add3A_586 : i32
        %add3A_598 = arith.constant 0 : i32
        %add3A_599 = arith.addi %mul3A_597, %add3A_598 : i32
        %add3A_600 = arith.constant 0 : i32
        %add3A_601 = arith.addi %add3A_599, %add3A_600 : i32
        %swap3A = arith.constant 1 : i32
        %swap3A_602 = arith.index_cast %swap3A : i32 to index
        %swap3A_603 = arith.index_cast %add3A_601 : i32 to index
        %swap3A_604 = tpu.vector_load %arg7[%swap3A_602, %swap3A_603] {strides = array<i32>} : memref<2x25600xf32, #tpu.memory_space<vmem>>, vector<1x16xf32>,
        %swap3A_605 = vector.shape_cast %swap3A_604 : vector<1x16xf32> to vector<16xf32>
        %swap3A_606 = vector.shape_cast %get3A_595 : vector<16xf32> to vector<1x16xf32>
        tpu.vector_store %arg7[%swap3A_602, %swap3A_603], %swap3A_606 {strides = array<i32>} : memref<2x25600xf32, #tpu.memory_space<vmem>>, vector<1x16xf32>,
        %mul3A_607 = arith.constant 4 : i32
        %mul3A_608 = arith.muli %mul3A_607, %add3A_586 : i32
        %add3A_609 = arith.constant 0 : i32
        %add3A_610 = arith.addi %mul3A_608, %add3A_609 : i32
        %get3A_611 = arith.constant 1 : i32
        %get3A_612 = arith.index_cast %get3A_611 : i32 to index
        %get3A_613 = arith.index_cast %add3A_610 : i32 to index
        %get3A_614 = arith.constant 16 : index
        %get3A_615 = tpu.vector_load %arg6[%get3A_612, %get3A_613, %get3A_614] {strides = array<i32>} : memref<2x800x32xf32, #tpu.memory_space<vmem>>, vector<1x1x16xf32>,
        %get3A_616 = vector.shape_cast %get3A_615 : vector<1x1x16xf32> to vector<16xf32>
        %mul3A_617 = arith.constant 128 : i32
        %mul3A_618 = arith.muli %mul3A_617, %add3A_586 : i32
        %add3A_619 = arith.constant 0 : i32
        %add3A_620 = arith.addi %mul3A_618, %add3A_619 : i32
        %add3A_621 = arith.constant 16 : i32
        %add3A_622 = arith.addi %add3A_620, %add3A_621 : i32
        %swap3A_623 = arith.constant 1 : i32
        %swap3A_624 = arith.index_cast %swap3A_623 : i32 to index
        %swap3A_625 = arith.index_cast %add3A_622 : i32 to index
        %swap3A_626 = tpu.vector_load %arg7[%swap3A_624, %swap3A_625] {strides = array<i32>} : memref<2x25600xf32, #tpu.memory_space<vmem>>, vector<1x16xf32>,
        %swap3A_627 = vector.shape_cast %swap3A_626 : vector<1x16xf32> to vector<16xf32>
        %swap3A_628 = vector.shape_cast %get3A_616 : vector<16xf32> to vector<1x16xf32>
        tpu.vector_store %arg7[%swap3A_624, %swap3A_625], %swap3A_628 {strides = array<i32>} : memref<2x25600xf32, #tpu.memory_space<vmem>>, vector<1x16xf32>,
        %mul3A_629 = arith.constant 4 : i32
        %mul3A_630 = arith.muli %mul3A_629, %add3A_586 : i32
        %add3A_631 = arith.constant 1 : i32
        %add3A_632 = arith.addi %mul3A_630, %add3A_631 : i32
        %get3A_633 = arith.constant 1 : i32
        %get3A_634 = arith.index_cast %get3A_633 : i32 to index
        %get3A_635 = arith.index_cast %add3A_632 : i32 to index
        %get3A_636 = arith.constant 0 : index
        %get3A_637 = tpu.vector_load %arg6[%get3A_634, %get3A_635, %get3A_636] {strides = array<i32>} : memref<2x800x32xf32, #tpu.memory_space<vmem>>, vector<1x1x16xf32>,
        %get3A_638 = vector.shape_cast %get3A_637 : vector<1x1x16xf32> to vector<16xf32>
        %mul3A_639 = arith.constant 128 : i32
        %mul3A_640 = arith.muli %mul3A_639, %add3A_586 : i32
        %add3A_641 = arith.constant 32 : i32
        %add3A_642 = arith.addi %mul3A_640, %add3A_641 : i32
        %add3A_643 = arith.constant 0 : i32
        %add3A_644 = arith.addi %add3A_642, %add3A_643 : i32
        %swap3A_645 = arith.constant 1 : i32
        %swap3A_646 = arith.index_cast %swap3A_645 : i32 to index
        %swap3A_647 = arith.index_cast %add3A_644 : i32 to index
        %swap3A_648 = tpu.vector_load %arg7[%swap3A_646, %swap3A_647] {strides = array<i32>} : memref<2x25600xf32, #tpu.memory_space<vmem>>, vector<1x16xf32>,
        %swap3A_649 = vector.shape_cast %swap3A_648 : vector<1x16xf32> to vector<16xf32>
        %swap3A_650 = vector.shape_cast %get3A_638 : vector<16xf32> to vector<1x16xf32>
        tpu.vector_store %arg7[%swap3A_646, %swap3A_647], %swap3A_650 {strides = array<i32>} : memref<2x25600xf32, #tpu.memory_space<vmem>>, vector<1x16xf32>,
        %mul3A_651 = arith.constant 4 : i32
        %mul3A_652 = arith.muli %mul3A_651, %add3A_586 : i32
        %add3A_653 = arith.constant 1 : i32
        %add3A_654 = arith.addi %mul3A_652, %add3A_653 : i32
        %get3A_655 = arith.constant 1 : i32
        %get3A_656 = arith.index_cast %get3A_655 : i32 to index
        %get3A_657 = arith.index_cast %add3A_654 : i32 to index
        %get3A_658 = arith.constant 16 : index
        %get3A_659 = tpu.vector_load %arg6[%get3A_656, %get3A_657, %get3A_658] {strides = array<i32>} : memref<2x800x32xf32, #tpu.memory_space<vmem>>, vector<1x1x16xf32>,
        %get3A_660 = vector.shape_cast %get3A_659 : vector<1x1x16xf32> to vector<16xf32>
        %mul3A_661 = arith.constant 128 : i32
        %mul3A_662 = arith.muli %mul3A_661, %add3A_586 : i32
        %add3A_663 = arith.constant 32 : i32
        %add3A_664 = arith.addi %mul3A_662, %add3A_663 : i32
        %add3A_665 = arith.constant 16 : i32
        %add3A_666 = arith.addi %add3A_664, %add3A_665 : i32
        %swap3A_667 = arith.constant 1 : i32
        %swap3A_668 = arith.index_cast %swap3A_667 : i32 to index
        %swap3A_669 = arith.index_cast %add3A_666 : i32 to index
        %swap3A_670 = tpu.vector_load %arg7[%swap3A_668, %swap3A_669] {strides = array<i32>} : memref<2x25600xf32, #tpu.memory_space<vmem>>, vector<1x16xf32>,
        %swap3A_671 = vector.shape_cast %swap3A_670 : vector<1x16xf32> to vector<16xf32>
        %swap3A_672 = vector.shape_cast %get3A_660 : vector<16xf32> to vector<1x16xf32>
        tpu.vector_store %arg7[%swap3A_668, %swap3A_669], %swap3A_672 {strides = array<i32>} : memref<2x25600xf32, #tpu.memory_space<vmem>>, vector<1x16xf32>,
        %mul3A_673 = arith.constant 4 : i32
        %mul3A_674 = arith.muli %mul3A_673, %add3A_586 : i32
        %add3A_675 = arith.constant 2 : i32
        %add3A_676 = arith.addi %mul3A_674, %add3A_675 : i32
        %get3A_677 = arith.constant 1 : i32
        %get3A_678 = arith.index_cast %get3A_677 : i32 to index
        %get3A_679 = arith.index_cast %add3A_676 : i32 to index
        %get3A_680 = arith.constant 0 : index
        %get3A_681 = tpu.vector_load %arg6[%get3A_678, %get3A_679, %get3A_680] {strides = array<i32>} : memref<2x800x32xf32, #tpu.memory_space<vmem>>, vector<1x1x16xf32>,
        %get3A_682 = vector.shape_cast %get3A_681 : vector<1x1x16xf32> to vector<16xf32>
        %mul3A_683 = arith.constant 128 : i32
        %mul3A_684 = arith.muli %mul3A_683, %add3A_586 : i32
        %add3A_685 = arith.constant 64 : i32
        %add3A_686 = arith.addi %mul3A_684, %add3A_685 : i32
        %add3A_687 = arith.constant 0 : i32
        %add3A_688 = arith.addi %add3A_686, %add3A_687 : i32
        %swap3A_689 = arith.constant 1 : i32
        %swap3A_690 = arith.index_cast %swap3A_689 : i32 to index
        %swap3A_691 = arith.index_cast %add3A_688 : i32 to index
        %swap3A_692 = tpu.vector_load %arg7[%swap3A_690, %swap3A_691] {strides = array<i32>} : memref<2x25600xf32, #tpu.memory_space<vmem>>, vector<1x16xf32>,
        %swap3A_693 = vector.shape_cast %swap3A_692 : vector<1x16xf32> to vector<16xf32>
        %swap3A_694 = vector.shape_cast %get3A_682 : vector<16xf32> to vector<1x16xf32>
        tpu.vector_store %arg7[%swap3A_690, %swap3A_691], %swap3A_694 {strides = array<i32>} : memref<2x25600xf32, #tpu.memory_space<vmem>>, vector<1x16xf32>,
        %mul3A_695 = arith.constant 4 : i32
        %mul3A_696 = arith.muli %mul3A_695, %add3A_586 : i32
        %add3A_697 = arith.constant 2 : i32
        %add3A_698 = arith.addi %mul3A_696, %add3A_697 : i32
        %get3A_699 = arith.constant 1 : i32
        %get3A_700 = arith.index_cast %get3A_699 : i32 to index
        %get3A_701 = arith.index_cast %add3A_698 : i32 to index
        %get3A_702 = arith.constant 16 : index
        %get3A_703 = tpu.vector_load %arg6[%get3A_700, %get3A_701, %get3A_702] {strides = array<i32>} : memref<2x800x32xf32, #tpu.memory_space<vmem>>, vector<1x1x16xf32>,
        %get3A_704 = vector.shape_cast %get3A_703 : vector<1x1x16xf32> to vector<16xf32>
        %mul3A_705 = arith.constant 128 : i32
        %mul3A_706 = arith.muli %mul3A_705, %add3A_586 : i32
        %add3A_707 = arith.constant 64 : i32
        %add3A_708 = arith.addi %mul3A_706, %add3A_707 : i32
        %add3A_709 = arith.constant 16 : i32
        %add3A_710 = arith.addi %add3A_708, %add3A_709 : i32
        %swap3A_711 = arith.constant 1 : i32
        %swap3A_712 = arith.index_cast %swap3A_711 : i32 to index
        %swap3A_713 = arith.index_cast %add3A_710 : i32 to index
        %swap3A_714 = tpu.vector_load %arg7[%swap3A_712, %swap3A_713] {strides = array<i32>} : memref<2x25600xf32, #tpu.memory_space<vmem>>, vector<1x16xf32>,
        %swap3A_715 = vector.shape_cast %swap3A_714 : vector<1x16xf32> to vector<16xf32>
        %swap3A_716 = vector.shape_cast %get3A_704 : vector<16xf32> to vector<1x16xf32>
        tpu.vector_store %arg7[%swap3A_712, %swap3A_713], %swap3A_716 {strides = array<i32>} : memref<2x25600xf32, #tpu.memory_space<vmem>>, vector<1x16xf32>,
        %mul3A_717 = arith.constant 4 : i32
        %mul3A_718 = arith.muli %mul3A_717, %add3A_586 : i32
        %add3A_719 = arith.constant 3 : i32
        %add3A_720 = arith.addi %mul3A_718, %add3A_719 : i32
        %get3A_721 = arith.constant 1 : i32
        %get3A_722 = arith.index_cast %get3A_721 : i32 to index
        %get3A_723 = arith.index_cast %add3A_720 : i32 to index
        %get3A_724 = arith.constant 0 : index
        %get3A_725 = tpu.vector_load %arg6[%get3A_722, %get3A_723, %get3A_724] {strides = array<i32>} : memref<2x800x32xf32, #tpu.memory_space<vmem>>, vector<1x1x16xf32>,
        %get3A_726 = vector.shape_cast %get3A_725 : vector<1x1x16xf32> to vector<16xf32>
        %mul3A_727 = arith.constant 128 : i32
        %mul3A_728 = arith.muli %mul3A_727, %add3A_586 : i32
        %add3A_729 = arith.constant 96 : i32
        %add3A_730 = arith.addi %mul3A_728, %add3A_729 : i32
        %add3A_731 = arith.constant 0 : i32
        %add3A_732 = arith.addi %add3A_730, %add3A_731 : i32
        %swap3A_733 = arith.constant 1 : i32
        %swap3A_734 = arith.index_cast %swap3A_733 : i32 to index
        %swap3A_735 = arith.index_cast %add3A_732 : i32 to index
        %swap3A_736 = tpu.vector_load %arg7[%swap3A_734, %swap3A_735] {strides = array<i32>} : memref<2x25600xf32, #tpu.memory_space<vmem>>, vector<1x16xf32>,
        %swap3A_737 = vector.shape_cast %swap3A_736 : vector<1x16xf32> to vector<16xf32>
        %swap3A_738 = vector.shape_cast %get3A_726 : vector<16xf32> to vector<1x16xf32>
        tpu.vector_store %arg7[%swap3A_734, %swap3A_735], %swap3A_738 {strides = array<i32>} : memref<2x25600xf32, #tpu.memory_space<vmem>>, vector<1x16xf32>,
        %mul3A_739 = arith.constant 4 : i32
        %mul3A_740 = arith.muli %mul3A_739, %add3A_586 : i32
        %add3A_741 = arith.constant 3 : i32
        %add3A_742 = arith.addi %mul3A_740, %add3A_741 : i32
        %get3A_743 = arith.constant 1 : i32
        %get3A_744 = arith.index_cast %get3A_743 : i32 to index
        %get3A_745 = arith.index_cast %add3A_742 : i32 to index
        %get3A_746 = arith.constant 16 : index
        %get3A_747 = tpu.vector_load %arg6[%get3A_744, %get3A_745, %get3A_746] {strides = array<i32>} : memref<2x800x32xf32, #tpu.memory_space<vmem>>, vector<1x1x16xf32>,
        %get3A_748 = vector.shape_cast %get3A_747 : vector<1x1x16xf32> to vector<16xf32>
        %mul3A_749 = arith.constant 128 : i32
        %mul3A_750 = arith.muli %mul3A_749, %add3A_586 : i32
        %add3A_751 = arith.constant 96 : i32
        %add3A_752 = arith.addi %mul3A_750, %add3A_751 : i32
        %add3A_753 = arith.constant 16 : i32
        %add3A_754 = arith.addi %add3A_752, %add3A_753 : i32
        %swap3A_755 = arith.constant 1 : i32
        %swap3A_756 = arith.index_cast %swap3A_755 : i32 to index
        %swap3A_757 = arith.index_cast %add3A_754 : i32 to index
        %swap3A_758 = tpu.vector_load %arg7[%swap3A_756, %swap3A_757] {strides = array<i32>} : memref<2x25600xf32, #tpu.memory_space<vmem>>, vector<1x16xf32>,
        %swap3A_759 = vector.shape_cast %swap3A_758 : vector<1x16xf32> to vector<16xf32>
        %swap3A_760 = vector.shape_cast %get3A_748 : vector<16xf32> to vector<1x16xf32>
        tpu.vector_store %arg7[%swap3A_756, %swap3A_757], %swap3A_760 {strides = array<i32>} : memref<2x25600xf32, #tpu.memory_space<vmem>>, vector<1x16xf32>,
      }
      %scan3A_558 = arith.constant 200 : i32
      %mul3A_559 = arith.constant 4 : i32
      %mul3A_560 = arith.muli %add3A_444, %mul3A_559 : i32
      %add3A_561 = arith.addi %mul3A_2, %mul3A_560 : i32
      %mul3A_562 = arith.constant 200 : i32
      %mul3A_563 = arith.muli %add3A_561, %mul3A_562 : i32
      %mul3A_564 = arith.constant 32 : i32
      %mul3A_565 = arith.muli %mul3A_563, %mul3A_564 : i32
      %dma_start3A_566 = arith.constant 1 : i32
      %dma_start3A_567 = arith.constant 0 : i32
      %dma_start3A_568 = tpu.memref_slice %arg7[%dma_start3A_566, %dma_start3A_567] : memref<2x25600xf32, #tpu.memory_space<vmem>> -> memref<1x25600xf32, #tpu.memory_space<vmem>>
      %dma_start3A_569 = tpu.memref_squeeze %dma_start3A_568 : memref<1x25600xf32, #tpu.memory_space<vmem>> -> memref<25600xf32, #tpu.memory_space<vmem>>
      %dma_start3A_570 = tpu.memref_slice %arg4[%mul3A_565] : memref<26214400xf32, #tpu.memory_space<hbm>> -> memref<25600xf32, #tpu.memory_space<hbm>>
      %dma_start3A_571 = tpu.memref_slice %arg4[%mul3A_565] : memref<26214400xf32, #tpu.memory_space<hbm>> -> memref<25600xf32, #tpu.memory_space<hbm>>
      %dma_start3A_572 = arith.constant 0 : i32
      %dma_start3A_573 = tpu.memref_slice %arg7[%dma_start3A_566, %dma_start3A_572] : memref<2x25600xf32, #tpu.memory_space<vmem>> -> memref<1x25600xf32, #tpu.memory_space<vmem>>
      %dma_start3A_574 = tpu.memref_squeeze %dma_start3A_573 : memref<1x25600xf32, #tpu.memory_space<vmem>> -> memref<25600xf32, #tpu.memory_space<vmem>>
      tpu.enqueue_dma source(%dma_start3A_574 : memref<25600xf32, #tpu.memory_space<vmem>>) target(%dma_start3A_571 : memref<25600xf32, #tpu.memory_space<hbm>>) target_semaphore(%arg13 : memref<!tpu.dma_semaphore, #tpu.memory_space<semaphore_mem>>)
      %add3A_575 = arith.constant 2 : i32
      %add3A_576 = arith.addi %add3A_444, %add3A_575 : i32
      %lt3A_577 = arith.constant 32 : i32
      %lt3A_578 = arith.cmpi slt, %add3A_576, %lt3A_577 : i32
      %convert_element_type3A_579 = arith.extui %lt3A_578 : i1 to i32
      %cond3A_580 = arith.constant 0 : i32
      %cond3A_581 = arith.cmpi ne, %convert_element_type3A_579, %cond3A_580 : i32
      scf.if %cond3A_581 {
        %add3A_582 = arith.constant 2 : i32
        %add3A_583 = arith.addi %add3A_444, %add3A_582 : i32
        %mul3A_584 = arith.constant 4 : i32
        %mul3A_585 = arith.muli %add3A_583, %mul3A_584 : i32
        %add3A_586 = arith.addi %mul3A_2, %mul3A_585 : i32
        %mul3A_587 = arith.constant 2 : i32
        %mul3A_588 = arith.muli %mul3A_587, %add3A_586 : i32
        %dma_start3A_589 = arith.constant 1 : i32
        %dma_start3A_590 = arith.constant 0 : i32
        %dma_start3A_591 = arith.constant 0 : i32
        %dma_start3A_592 = tpu.memref_slice %arg5[%dma_start3A_589, %dma_start3A_590, %dma_start3A_591] : memref<2x8x128xi32, #tpu.memory_space<vmem>> -> memref<1x8x128xi32, #tpu.memory_space<vmem>>
        %dma_start3A_593 = tpu.memref_squeeze %dma_start3A_592 : memref<1x8x128xi32, #tpu.memory_space<vmem>> -> memref<8x128xi32, #tpu.memory_space<vmem>>
        %dma_start3A_594 = arith.constant 0 : i32
        %dma_start3A_595 = tpu.memref_slice %arg3[%mul3A_588, %dma_start3A_594] : memref<8192x128xi32, #tpu.memory_space<hbm>> -> memref<8x128xi32, #tpu.memory_space<hbm>>
        %dma_start3A_596 = arith.constant 0 : i32
        %dma_start3A_597 = arith.constant 0 : i32
        %dma_start3A_598 = tpu.memref_slice %arg5[%dma_start3A_589, %dma_start3A_596, %dma_start3A_597] : memref<2x8x128xi32, #tpu.memory_space<vmem>> -> memref<1x8x128xi32, #tpu.memory_space<vmem>>
        %dma_start3A_599 = tpu.memref_squeeze %dma_start3A_598 : memref<1x8x128xi32, #tpu.memory_space<vmem>> -> memref<8x128xi32, #tpu.memory_space<vmem>>
        %dma_start3A_600 = arith.constant 0 : i32
        %dma_start3A_601 = tpu.memref_slice %arg3[%mul3A_588, %dma_start3A_600] : memref<8192x128xi32, #tpu.memory_space<hbm>> -> memref<8x128xi32, #tpu.memory_space<hbm>>
        tpu.enqueue_dma source(%dma_start3A_601 : memref<8x128xi32, #tpu.memory_space<hbm>>) target(%dma_start3A_599 : memref<8x128xi32, #tpu.memory_space<vmem>>) target_semaphore(%arg9 : memref<!tpu.dma_semaphore, #tpu.memory_space<semaphore_mem>>)
      } else {
      }
    }
    %scan3A_39 = arith.constant 16 : i32
    %dma_wait3A = arith.constant 0 : i32
    %dma_wait3A_40 = arith.constant 0 : i32
    %dma_wait3A_41 = tpu.memref_slice %arg7[%dma_wait3A, %dma_wait3A_40] : memref<2x25600xf32, #tpu.memory_space<vmem>> -> memref<1x25600xf32, #tpu.memory_space<vmem>>
    %dma_wait3A_42 = tpu.memref_squeeze %dma_wait3A_41 : memref<1x25600xf32, #tpu.memory_space<vmem>> -> memref<25600xf32, #tpu.memory_space<vmem>>
    %dma_wait3A_43 = arith.constant 0 : i32
    %dma_wait3A_44 = tpu.memref_slice %arg4[%dma_wait3A_43] : memref<26214400xf32, #tpu.memory_space<hbm>> -> memref<25600xf32, #tpu.memory_space<hbm>>
    %dma_wait3A_45 = arith.constant 0 : i32
    %dma_wait3A_46 = tpu.memref_slice %arg4[%dma_wait3A_45] : memref<26214400xf32, #tpu.memory_space<hbm>> -> memref<25600xf32, #tpu.memory_space<hbm>>
    %dma_wait3A_47 = arith.constant 0 : i32
    %dma_wait3A_48 = tpu.memref_slice %arg7[%dma_wait3A, %dma_wait3A_47] : memref<2x25600xf32, #tpu.memory_space<vmem>> -> memref<1x25600xf32, #tpu.memory_space<vmem>>
    %dma_wait3A_49 = tpu.memref_squeeze %dma_wait3A_48 : memref<1x25600xf32, #tpu.memory_space<vmem>> -> memref<25600xf32, #tpu.memory_space<vmem>>
    tpu.wait_dma2 semaphore(%arg12 : memref<!tpu.dma_semaphore, #tpu.memory_space<semaphore_mem>>) src(%dma_wait3A_49 : memref<25600xf32, #tpu.memory_space<vmem>>) dst(%dma_wait3A_46 : memref<25600xf32, #tpu.memory_space<hbm>>)
    %dma_wait3A_50 = arith.constant 1 : i32
    %dma_wait3A_51 = arith.constant 0 : i32
    %dma_wait3A_52 = tpu.memref_slice %arg7[%dma_wait3A_50, %dma_wait3A_51] : memref<2x25600xf32, #tpu.memory_space<vmem>> -> memref<1x25600xf32, #tpu.memory_space<vmem>>
    %dma_wait3A_53 = tpu.memref_squeeze %dma_wait3A_52 : memref<1x25600xf32, #tpu.memory_space<vmem>> -> memref<25600xf32, #tpu.memory_space<vmem>>
    %dma_wait3A_54 = arith.constant 0 : i32
    %dma_wait3A_55 = tpu.memref_slice %arg4[%dma_wait3A_54] : memref<26214400xf32, #tpu.memory_space<hbm>> -> memref<25600xf32, #tpu.memory_space<hbm>>
    %dma_wait3A_56 = arith.constant 0 : i32
    %dma_wait3A_57 = tpu.memref_slice %arg4[%dma_wait3A_56] : memref<26214400xf32, #tpu.memory_space<hbm>> -> memref<25600xf32, #tpu.memory_space<hbm>>
    %dma_wait3A_58 = arith.constant 0 : i32
    %dma_wait3A_59 = tpu.memref_slice %arg7[%dma_wait3A_50, %dma_wait3A_58] : memref<2x25600xf32, #tpu.memory_space<vmem>> -> memref<1x25600xf32, #tpu.memory_space<vmem>>
    %dma_wait3A_60 = tpu.memref_squeeze %dma_wait3A_59 : memref<1x25600xf32, #tpu.memory_space<vmem>> -> memref<25600xf32, #tpu.memory_space<vmem>>
    tpu.wait_dma2 semaphore(%arg13 : memref<!tpu.dma_semaphore, #tpu.memory_space<semaphore_mem>>) src(%dma_wait3A_60 : memref<25600xf32, #tpu.memory_space<vmem>>) dst(%dma_wait3A_57 : memref<25600xf32, #tpu.memory_space<hbm>>)
    return
  }
}

module attributes {stable_mosaic.version = 14 : i64} {
  func.func @body(%arg0: i32, %arg1: memref<256x200xi32, #tpu.memory_space<vmem>>, %arg2: memref<512x128xi32, #tpu.memory_space<vmem>>) attributes {dimension_semantics = [#tpu.dimension_semantics<arbitrary>], iteration_bounds = array<i64: 16>, scalar_prefetch = 0 : i64, scratch_operands = 0 : i64, tpu.core_type = #tpu.core_type<tc>, window_params = [{transform_indices = @transform_0, window_bounds = array<i64: 256, 200>}, {transform_indices = @transform_1, window_bounds = array<i64: 512, 128>}]} {
    %get3A = arith.constant 0 : index
    %get3A_0 = arith.constant 0 : index
    %get3A_1 = vector.load %arg1[%get3A, %get3A_0] : memref<256x200xi32, #tpu.memory_space<vmem>>, vector<256x200xi32>
    %slice3A = vector.extract_strided_slice %get3A_1 {offsets = [0, 0], sizes = [256, 128], strides = [1, 1]} : vector<256x200xi32> to vector<256x128xi32>
    %swap3A = arith.constant 0 : index
    %swap3A_2 = arith.constant 0 : index
    %swap3A_3 = tpu.strided_load %arg2[%swap3A, %swap3A_2] {strides = array<i32: 2, 1>} : memref<512x128xi32, #tpu.memory_space<vmem>>, vector<256x128xi32>
    tpu.strided_store %arg2[%swap3A, %swap3A_2], %slice3A {strides = array<i32: 2, 1>} : memref<512x128xi32, #tpu.memory_space<vmem>>, vector<256x128xi32>
    %slice3A_4 = vector.extract_strided_slice %get3A_1 {offsets = [0, 128], sizes = [256, 72], strides = [1, 1]} : vector<256x200xi32> to vector<256x72xi32>
    %broadcast_in_dim3A = arith.constant 0 : i32
    %broadcast_in_dim3A_5 = vector.broadcast %broadcast_in_dim3A : i32 to vector<256x56xi32>
    %concatenate3A = tpu.concatenate %slice3A_4, %broadcast_in_dim3A_5 in 1 : vector<256x72xi32>, vector<256x56xi32> -> vector<256x128xi32>
    %swap3A_6 = arith.constant 1 : index
    %swap3A_7 = arith.constant 0 : index
    %swap3A_8 = tpu.strided_load %arg2[%swap3A_6, %swap3A_7] {strides = array<i32: 2, 1>} : memref<512x128xi32, #tpu.memory_space<vmem>>, vector<256x128xi32>
    tpu.strided_store %arg2[%swap3A_6, %swap3A_7], %concatenate3A {strides = array<i32: 2, 1>} : memref<512x128xi32, #tpu.memory_space<vmem>>, vector<256x128xi32>
    return
  }
  func.func @transform_0(%arg0: i32) -> (i32, i32) {
    %c0_i32 = arith.constant 0 : i32
    %c0_i32_0 = arith.constant 0 : i32
    return %arg0, %c0_i32 : i32, i32
  }
  func.func @transform_1(%arg0: i32) -> (i32, i32) {
    %c0_i32 = arith.constant 0 : i32
    %c0_i32_0 = arith.constant 0 : i32
    return %arg0, %c0_i32 : i32, i32
  }
}

module attributes {stable_mosaic.version = 14 : i64} {
  func.func @_mlp_body(%arg0: i32, %arg1: memref<1600x128xf32, #tpu.memory_space<vmem>>, %arg2: memref<128x256xbf16, #tpu.memory_space<vmem>>, %arg3: memref<256x256xbf16, #tpu.memory_space<vmem>>, %arg4: memref<1x256xf32, #tpu.memory_space<vmem>>, %arg5: memref<256x256xbf16, #tpu.memory_space<vmem>>, %arg6: memref<1x256xf32, #tpu.memory_space<vmem>>, %arg7: memref<256x256xbf16, #tpu.memory_space<vmem>>, %arg8: memref<1x256xf32, #tpu.memory_space<vmem>>, %arg9: memref<256x256xbf16, #tpu.memory_space<vmem>>, %arg10: memref<1x256xf32, #tpu.memory_space<vmem>>, %arg11: memref<32x200x64xf32, #tpu.memory_space<vmem>>) attributes {dimension_semantics = [#tpu.dimension_semantics<parallel>], iteration_bounds = array<i64: 128>, scalar_prefetch = 0 : i64, scratch_operands = 0 : i64, tpu.core_type = #tpu.core_type<tc>, window_params = [{transform_indices = @transform_0, window_bounds = array<i64: 1600, 128>}, {pipeline_mode = #tpu.pipeline_mode<synchronous>, transform_indices = @transform_1, window_bounds = array<i64: 128, 256>}, {pipeline_mode = #tpu.pipeline_mode<synchronous>, transform_indices = @transform_2, window_bounds = array<i64: 256, 256>}, {pipeline_mode = #tpu.pipeline_mode<synchronous>, transform_indices = @transform_3, window_bounds = array<i64: 1, 256>}, {pipeline_mode = #tpu.pipeline_mode<synchronous>, transform_indices = @transform_4, window_bounds = array<i64: 256, 256>}, {pipeline_mode = #tpu.pipeline_mode<synchronous>, transform_indices = @transform_5, window_bounds = array<i64: 1, 256>}, {pipeline_mode = #tpu.pipeline_mode<synchronous>, transform_indices = @transform_6, window_bounds = array<i64: 256, 256>}, {pipeline_mode = #tpu.pipeline_mode<synchronous>, transform_indices = @transform_7, window_bounds = array<i64: 1, 256>}, {pipeline_mode = #tpu.pipeline_mode<synchronous>, transform_indices = @transform_8, window_bounds = array<i64: 256, 256>}, {pipeline_mode = #tpu.pipeline_mode<synchronous>, transform_indices = @transform_9, window_bounds = array<i64: 1, 256>}, {transform_indices = @transform_10, window_bounds = array<i64: 32, 200, 64>}]} {
    %get3A = arith.constant 0 : index
    %get3A_0 = arith.constant 0 : index
    %get3A_1 = vector.load %arg1[%get3A, %get3A_0] : memref<1600x128xf32, #tpu.memory_space<vmem>>, vector<1600x128xf32>
    %convert_element_type3A = arith.truncf %get3A_1 : vector<1600x128xf32> to vector<1600x128xbf16>
    %get3A_2 = arith.constant 0 : index
    %get3A_3 = arith.constant 0 : index
    %get3A_4 = vector.load %arg2[%get3A_2, %get3A_3] : memref<128x256xbf16, #tpu.memory_space<vmem>>, vector<128x256xbf16>
    %dot_general3A = arith.constant dense<0.000000e+00> : vector<1600x256xf32>
    %dot_general3A_5 = tpu.matmul %convert_element_type3A, %get3A_4, %dot_general3A {dimension_numbers = #tpu.dot_dimension_numbers<[1], [0], [0], [1], [0, 0, 1, 1], [], []>, transpose_lhs_hint = false} : vector<1600x128xbf16>, vector<128x256xbf16>, vector<1600x256xf32> -> vector<1600x256xf32>
    %convert_element_type3A_6 = arith.truncf %dot_general3A_5 : vector<1600x256xf32> to vector<1600x256xbf16>
    %get3A_7 = arith.constant 0 : index
    %get3A_8 = arith.constant 0 : index
    %get3A_9 = vector.load %arg5[%get3A_7, %get3A_8] : memref<256x256xbf16, #tpu.memory_space<vmem>>, vector<256x256xbf16>
    %dot_general3A_10 = arith.constant dense<0.000000e+00> : vector<1600x256xf32>
    %dot_general3A_11 = tpu.matmul %convert_element_type3A_6, %get3A_9, %dot_general3A_10 {dimension_numbers = #tpu.dot_dimension_numbers<[1], [0], [0], [1], [0, 0, 1, 1], [], []>, transpose_lhs_hint = false} : vector<1600x256xbf16>, vector<256x256xbf16>, vector<1600x256xf32> -> vector<1600x256xf32>
    %get3A_12 = arith.constant 0 : index
    %get3A_13 = arith.constant 0 : index
    %get3A_14 = vector.load %arg6[%get3A_12, %get3A_13] : memref<1x256xf32, #tpu.memory_space<vmem>>, vector<1x256xf32>
    %add3A = vector.broadcast %get3A_14 : vector<1x256xf32> to vector<1600x256xf32>
    %add3A_15 = arith.addf %dot_general3A_11, %add3A : vector<1600x256xf32>
    %logistic3A = arith.negf %add3A_15 : vector<1600x256xf32>
    %logistic3A_16 = math.exp %logistic3A : vector<1600x256xf32>
    %logistic3A_17 = arith.constant 1.000000e+00 : f32
    %logistic3A_18 = vector.broadcast %logistic3A_17 : f32 to vector<1600x256xf32>
    %logistic3A_19 = arith.addf %logistic3A_18, %logistic3A_16 : vector<1600x256xf32>
    %logistic3A_20 = arith.divf %logistic3A_18, %logistic3A_19 : vector<1600x256xf32>
    %get3A_21 = arith.constant 0 : index
    %get3A_22 = arith.constant 0 : index
    %get3A_23 = vector.load %arg3[%get3A_21, %get3A_22] : memref<256x256xbf16, #tpu.memory_space<vmem>>, vector<256x256xbf16>
    %dot_general3A_24 = arith.constant dense<0.000000e+00> : vector<1600x256xf32>
    %dot_general3A_25 = tpu.matmul %convert_element_type3A_6, %get3A_23, %dot_general3A_24 {dimension_numbers = #tpu.dot_dimension_numbers<[1], [0], [0], [1], [0, 0, 1, 1], [], []>, transpose_lhs_hint = false} : vector<1600x256xbf16>, vector<256x256xbf16>, vector<1600x256xf32> -> vector<1600x256xf32>
    %get3A_26 = arith.constant 0 : index
    %get3A_27 = arith.constant 0 : index
    %get3A_28 = vector.load %arg4[%get3A_26, %get3A_27] : memref<1x256xf32, #tpu.memory_space<vmem>>, vector<1x256xf32>
    %add3A_29 = vector.broadcast %get3A_28 : vector<1x256xf32> to vector<1600x256xf32>
    %add3A_30 = arith.addf %dot_general3A_25, %add3A_29 : vector<1600x256xf32>
    %max3A = arith.constant 0.000000e+00 : f32
    %max3A_31 = vector.broadcast %max3A : f32 to vector<1600x256xf32>
    %max3A_32 = arith.maximumf %add3A_30, %max3A_31 : vector<1600x256xf32>
    %sub3A = arith.subf %max3A_32, %dot_general3A_5 : vector<1600x256xf32>
    %mul3A = arith.mulf %logistic3A_20, %sub3A : vector<1600x256xf32>
    %add3A_33 = arith.addf %mul3A, %dot_general3A_5 : vector<1600x256xf32>
    %convert_element_type3A_34 = arith.truncf %add3A_33 : vector<1600x256xf32> to vector<1600x256xbf16>
    %get3A_35 = arith.constant 0 : index
    %get3A_36 = arith.constant 0 : index
    %get3A_37 = vector.load %arg9[%get3A_35, %get3A_36] : memref<256x256xbf16, #tpu.memory_space<vmem>>, vector<256x256xbf16>
    %dot_general3A_38 = arith.constant dense<0.000000e+00> : vector<1600x256xf32>
    %dot_general3A_39 = tpu.matmul %convert_element_type3A_34, %get3A_37, %dot_general3A_38 {dimension_numbers = #tpu.dot_dimension_numbers<[1], [0], [0], [1], [0, 0, 1, 1], [], []>, transpose_lhs_hint = false} : vector<1600x256xbf16>, vector<256x256xbf16>, vector<1600x256xf32> -> vector<1600x256xf32>
    %get3A_40 = arith.constant 0 : index
    %get3A_41 = arith.constant 0 : index
    %get3A_42 = vector.load %arg10[%get3A_40, %get3A_41] : memref<1x256xf32, #tpu.memory_space<vmem>>, vector<1x256xf32>
    %add3A_43 = vector.broadcast %get3A_42 : vector<1x256xf32> to vector<1600x256xf32>
    %add3A_44 = arith.addf %dot_general3A_39, %add3A_43 : vector<1600x256xf32>
    %logistic3A_45 = arith.negf %add3A_44 : vector<1600x256xf32>
    %logistic3A_46 = math.exp %logistic3A_45 : vector<1600x256xf32>
    %logistic3A_47 = arith.constant 1.000000e+00 : f32
    %logistic3A_48 = vector.broadcast %logistic3A_47 : f32 to vector<1600x256xf32>
    %logistic3A_49 = arith.addf %logistic3A_48, %logistic3A_46 : vector<1600x256xf32>
    %logistic3A_50 = arith.divf %logistic3A_48, %logistic3A_49 : vector<1600x256xf32>
    %get3A_51 = arith.constant 0 : index
    %get3A_52 = arith.constant 0 : index
    %get3A_53 = vector.load %arg7[%get3A_51, %get3A_52] : memref<256x256xbf16, #tpu.memory_space<vmem>>, vector<256x256xbf16>
    %dot_general3A_54 = arith.constant dense<0.000000e+00> : vector<1600x256xf32>
    %dot_general3A_55 = tpu.matmul %convert_element_type3A_34, %get3A_53, %dot_general3A_54 {dimension_numbers = #tpu.dot_dimension_numbers<[1], [0], [0], [1], [0, 0, 1, 1], [], []>, transpose_lhs_hint = false} : vector<1600x256xbf16>, vector<256x256xbf16>, vector<1600x256xf32> -> vector<1600x256xf32>
    %get3A_56 = arith.constant 0 : index
    %get3A_57 = arith.constant 0 : index
    %get3A_58 = vector.load %arg8[%get3A_56, %get3A_57] : memref<1x256xf32, #tpu.memory_space<vmem>>, vector<1x256xf32>
    %add3A_59 = vector.broadcast %get3A_58 : vector<1x256xf32> to vector<1600x256xf32>
    %add3A_60 = arith.addf %dot_general3A_55, %add3A_59 : vector<1600x256xf32>
    %max3A_61 = arith.constant 0.000000e+00 : f32
    %max3A_62 = vector.broadcast %max3A_61 : f32 to vector<1600x256xf32>
    %max3A_63 = arith.maximumf %add3A_60, %max3A_62 : vector<1600x256xf32>
    %sub3A_64 = arith.subf %max3A_63, %add3A_33 : vector<1600x256xf32>
    %mul3A_65 = arith.mulf %logistic3A_50, %sub3A_64 : vector<1600x256xf32>
    %add3A_66 = arith.addf %mul3A_65, %add3A_33 : vector<1600x256xf32>
    %slice3A = vector.extract_strided_slice %add3A_66 {offsets = [0, 0], sizes = [1600, 64], strides = [1, 1]} : vector<1600x256xf32> to vector<1600x64xf32>
    %reshape3A = vector.shape_cast %slice3A : vector<1600x64xf32> to vector<32x50x64xf32>
    %swap3A = arith.constant 0 : index
    %swap3A_67 = arith.constant 0 : index
    %swap3A_68 = arith.constant 0 : index
    %swap3A_69 = tpu.strided_load %arg11[%swap3A, %swap3A_67, %swap3A_68] {strides = array<i32: 1, 4, 1>} : memref<32x200x64xf32, #tpu.memory_space<vmem>>, vector<32x50x64xf32>
    tpu.strided_store %arg11[%swap3A, %swap3A_67, %swap3A_68], %reshape3A {strides = array<i32: 1, 4, 1>} : memref<32x200x64xf32, #tpu.memory_space<vmem>>, vector<32x50x64xf32>
    %slice3A_70 = vector.extract_strided_slice %add3A_66 {offsets = [0, 64], sizes = [1600, 64], strides = [1, 1]} : vector<1600x256xf32> to vector<1600x64xf32>
    %reshape3A_71 = vector.shape_cast %slice3A_70 : vector<1600x64xf32> to vector<32x50x64xf32>
    %swap3A_72 = arith.constant 0 : index
    %swap3A_73 = arith.constant 1 : index
    %swap3A_74 = arith.constant 0 : index
    %swap3A_75 = tpu.strided_load %arg11[%swap3A_72, %swap3A_73, %swap3A_74] {strides = array<i32: 1, 4, 1>} : memref<32x200x64xf32, #tpu.memory_space<vmem>>, vector<32x50x64xf32>
    tpu.strided_store %arg11[%swap3A_72, %swap3A_73, %swap3A_74], %reshape3A_71 {strides = array<i32: 1, 4, 1>} : memref<32x200x64xf32, #tpu.memory_space<vmem>>, vector<32x50x64xf32>
    %slice3A_76 = vector.extract_strided_slice %add3A_66 {offsets = [0, 128], sizes = [1600, 64], strides = [1, 1]} : vector<1600x256xf32> to vector<1600x64xf32>
    %reshape3A_77 = vector.shape_cast %slice3A_76 : vector<1600x64xf32> to vector<32x50x64xf32>
    %swap3A_78 = arith.constant 0 : index
    %swap3A_79 = arith.constant 2 : index
    %swap3A_80 = arith.constant 0 : index
    %swap3A_81 = tpu.strided_load %arg11[%swap3A_78, %swap3A_79, %swap3A_80] {strides = array<i32: 1, 4, 1>} : memref<32x200x64xf32, #tpu.memory_space<vmem>>, vector<32x50x64xf32>
    tpu.strided_store %arg11[%swap3A_78, %swap3A_79, %swap3A_80], %reshape3A_77 {strides = array<i32: 1, 4, 1>} : memref<32x200x64xf32, #tpu.memory_space<vmem>>, vector<32x50x64xf32>
    %slice3A_82 = vector.extract_strided_slice %add3A_66 {offsets = [0, 192], sizes = [1600, 64], strides = [1, 1]} : vector<1600x256xf32> to vector<1600x64xf32>
    %reshape3A_83 = vector.shape_cast %slice3A_82 : vector<1600x64xf32> to vector<32x50x64xf32>
    %swap3A_84 = arith.constant 0 : index
    %swap3A_85 = arith.constant 3 : index
    %swap3A_86 = arith.constant 0 : index
    %swap3A_87 = tpu.strided_load %arg11[%swap3A_84, %swap3A_85, %swap3A_86] {strides = array<i32: 1, 4, 1>} : memref<32x200x64xf32, #tpu.memory_space<vmem>>, vector<32x50x64xf32>
    tpu.strided_store %arg11[%swap3A_84, %swap3A_85, %swap3A_86], %reshape3A_83 {strides = array<i32: 1, 4, 1>} : memref<32x200x64xf32, #tpu.memory_space<vmem>>, vector<32x50x64xf32>
    return
  }
  func.func @transform_0(%arg0: i32) -> (i32, i32) {
    %c0_i32 = arith.constant 0 : i32
    %c0_i32_0 = arith.constant 0 : i32
    return %arg0, %c0_i32 : i32, i32
  }
  func.func @transform_1(%arg0: i32) -> (i32, i32) {
    %c0_i32 = arith.constant 0 : i32
    %c0_i32_0 = arith.constant 0 : i32
    %c0_i32_1 = arith.constant 0 : i32
    return %c0_i32, %c0_i32_0 : i32, i32
  }
  func.func @transform_2(%arg0: i32) -> (i32, i32) {
    %c0_i32 = arith.constant 0 : i32
    %c0_i32_0 = arith.constant 0 : i32
    %c0_i32_1 = arith.constant 0 : i32
    return %c0_i32, %c0_i32_0 : i32, i32
  }
  func.func @transform_3(%arg0: i32) -> (i32, i32) {
    %c0_i32 = arith.constant 0 : i32
    %c0_i32_0 = arith.constant 0 : i32
    %c0_i32_1 = arith.constant 0 : i32
    return %c0_i32, %c0_i32_0 : i32, i32
  }
  func.func @transform_4(%arg0: i32) -> (i32, i32) {
    %c0_i32 = arith.constant 0 : i32
    %c0_i32_0 = arith.constant 0 : i32
    %c0_i32_1 = arith.constant 0 : i32
    return %c0_i32, %c0_i32_0 : i32, i32
  }
  func.func @transform_5(%arg0: i32) -> (i32, i32) {
    %c0_i32 = arith.constant 0 : i32
    %c0_i32_0 = arith.constant 0 : i32
    %c0_i32_1 = arith.constant 0 : i32
    return %c0_i32, %c0_i32_0 : i32, i32
  }
  func.func @transform_6(%arg0: i32) -> (i32, i32) {
    %c0_i32 = arith.constant 0 : i32
    %c0_i32_0 = arith.constant 0 : i32
    %c0_i32_1 = arith.constant 0 : i32
    return %c0_i32, %c0_i32_0 : i32, i32
  }
  func.func @transform_7(%arg0: i32) -> (i32, i32) {
    %c0_i32 = arith.constant 0 : i32
    %c0_i32_0 = arith.constant 0 : i32
    %c0_i32_1 = arith.constant 0 : i32
    return %c0_i32, %c0_i32_0 : i32, i32
  }
  func.func @transform_8(%arg0: i32) -> (i32, i32) {
    %c0_i32 = arith.constant 0 : i32
    %c0_i32_0 = arith.constant 0 : i32
    %c0_i32_1 = arith.constant 0 : i32
    return %c0_i32, %c0_i32_0 : i32, i32
  }
  func.func @transform_9(%arg0: i32) -> (i32, i32) {
    %c0_i32 = arith.constant 0 : i32
    %c0_i32_0 = arith.constant 0 : i32
    %c0_i32_1 = arith.constant 0 : i32
    return %c0_i32, %c0_i32_0 : i32, i32
  }
  func.func @transform_10(%arg0: i32) -> (i32, i32, i32) {
    %c0_i32 = arith.constant 0 : i32
    %c0_i32_0 = arith.constant 0 : i32
    %c0_i32_1 = arith.constant 0 : i32
    return %arg0, %c0_i32, %c0_i32_0 : i32, i32, i32
  }
}

</mosaic_0001>

<sc_bundles>
// kernel: kernel.5.cloned.1.call-start
scs
__scs_entry_jumppad:
0x0: {  	(pc) =	sbr.rel $0x88, $3  }
0x1: {  	(tag) =	ssettag $0x0;
	lr =	simm.s32 $0x1  }
0x2: {  	[smem:$0x3F96] =	sst lr;
	_ =	strace $0xD0000000  }
0x3: {  	_ = 	snop  }
0x4: {  	_ = 	snop  }
0x5: {  	_ = 	snop  }
0x6: {  	_ = 	snop  }
0x7: {  	_ = 	snop  }
__scs_overlays_trampoline_lowered:
0x8: {  	[smem:$0x3FA5] =	sst s0  }
0x9: {  	[smem:$0x3FA6] =	sst s1  }
0xa: {  	[smem:$0x3FA7] =	sst s2  }
0xb: {  	[smem:$0x3FA8] =	sst s3  }
0xc: {  	[smem:$0x3FA9] =	sst s4  }
0xd: {  	[smem:$0x3FAA] =	sst s5  }
0xe: {  	[smem:$0x3FAB] =	sst s6  }
0xf: {  	[smem:$0x3FAC] =	sst s7  }
0x10: {  	[smem:$0x3FAD] =	sst s8  }
0x11: {  	[smem:$0x3FAE] =	sst s9;
	s0 =	simm.s32 @!p0 $0x0  }
0x12: {  	s1 =	sld [smem:$0x3F94];
	s0 =	simm.s32 @p0 $0x1  }
0x13: {  	[smem:$0x3FAF] =	sst s0;
	s0 =	simm.s32 @!p1 $0x0  }
0x14: {  	s2 =	sld [smem:$0x3F93];
	s0 =	simm.s32 @p1 $0x1  }
0x15: {  	[smem:$0x3FB0] =	sst s0;
	s0 =	simm.s32 @!p2 $0x0  }
0x16: {  	s3 =	sld [smem:$0x3FDB];
	s0 =	simm.s32 @p2 $0x1  }
0x17: {  	s4 =	simm.s32 $0x1BF5;
	[smem:$0x3FB2] =	sst s0  }
0x18: {  	s0 =	sld [smem:$0x3F95];
	_ =	swait.ge [sflag:s4], $0x0  }
0x19: {  	s7 =	sld [smem:$0x3F96]  }
0x1a: {  	s8 =	sadd.s32 $0xFFFFE003, lr  }
0x1b: {  	s9 =	sadd.s32 $0xFFFFFEF7, lr;
	s5 =	simm.s32 $0xFFFFFFFF;
	p2 =	slt.u32 s8, $0xFFFFF086  }
0x1c: {  	p1 =	slt.u32 s9, $0xF7A;
	s5 =	simm.s32 @!p2 $0x0  }
0x1d: {  	s5 =	simm.s32 @p1 $0x1;
	p0 =	seq.s32 s7, s2  }
0x1e: {  	s7 =	smul.u32 @!p0 $0xF7A, s2;
	p2 =	seq.s32 @!p0 s5, $0x0  }
0x1f: {  	s9 =	smul.u32 $0xF7A, s1;
	s8 =	simm.s32 @!p0 $0x1BF5;
	p2 =	por !p2, p0  }
0x20: {  	[sflag:s8] =	ssyncset.s32 @!p0 $0xFFFFF086;
	s6 =	sadd.s32 @!p0 s3, s7;
	s7 =	simm.s32 @!p0 $0x108  }
0x21: {  	s3 =	sadd.s32 s3, s9;
	s6 =	sadd.s32 @!p0 $0x88, s6;
	s7 =	simm.s32 @p2 $0x1082  }
0x22: {  	[simem:s7], [sflag:s8] =	dma.local @!p0 [hbm:s6], $0xF7A  }
0x23: {  	s9 =	sor.u32 $0xD0000000, s2;
	s6 =	simm.s32 $0x108;
	_ =	swait.ge @!p0 [sflag:s8], $0x0  }
0x24: {  	s3 =	sadd.s32 $0x88, s3;
	s6 =	simm.s32 @!p1 $0x1082;
	[sflag:s4] =	ssyncset.s32 $0xFFFFF086  }
0x25: {  	[simem:s6], [sflag:s4] =	dma.local [hbm:s3], $0xF7A  }
0x26: {  	[smem:$0x3F96] =	sst s1;
	(tag) =	ssettag s2;
	_ =	strace s9  }
0x27: {  	s1 =	sld [smem:$0x3FA6]  }
0x28: {  	s2 =	sld [smem:$0x3FA7]  }
0x29: {  	s4 =	sld [smem:$0x3FA9]  }
0x2a: {  	p0 =	seq.s32 s5, $0x0;
	s5 =	sld [smem:$0x3FAA]  }
0x2b: {  	s6 =	sld [smem:$0x3FAB]  }
0x2c: {  	s7 =	sld [smem:$0x3FAC]  }
0x2d: {  	s3 =	simm.s32 $0x108;
	s8 =	sld [smem:$0x3FAD]  }
0x2e: {  	s3 =	simm.s32 @!p0 $0x1082;
	s9 =	sld [smem:$0x3FAE]  }
0x2f: {  	lr =	sadd.s32 s0, s3;
	s0 =	sld [smem:$0x3FA5]  }
0x30: {  	s3 =	sld [smem:$0x3FA8]  }
0x31: {  	[smem:$0x3FB1] =	sst s10  }
0x32: {  	s10 =	sld [smem:$0x3FAF];
	_ =	sdelay $0x3  }
0x33: {  	p0 =	seq.s32 s10, $0x1;
	s10 =	sld [smem:$0x3FB1];
	_ =	sdelay $0x3  }
0x34: {  	[smem:$0x3FB1] =	sst s10  }
0x35: {  	s10 =	sld [smem:$0x3FB0];
	_ =	sdelay $0x3  }
0x36: {  	p1 =	seq.s32 s10, $0x1;
	s10 =	sld [smem:$0x3FB1];
	_ =	sdelay $0x3  }
0x37: {  	[smem:$0x3FB1] =	sst s10  }
0x38: {  	s10 =	sld [smem:$0x3FB2]  }
0x39: {  	_ = 	snop;
	(pc) =	sbr.ind lr, $3  }
0x3a: {  	_ = 	snop  }
0x3b: {  	_ = 	snop  }
0x3c: {  	p2 =	seq.s32 s10, $0x1;
	s10 =	sld [smem:$0x3FB1]  }
0x3d: {  	_ =	shalt  }
0x3e: {  	_ =	shalt  }
0x3f: {  	_ =	shalt  }
0x40: {  	_ =	shalt  }
0x41: {  	_ =	shalt  }
0x42: {  	_ =	shalt  }
0x43: {  	_ =	shalt  }
0x44: {  	_ =	shalt  }
0x45: {  	_ =	shalt  }
0x46: {  	_ =	shalt  }
0x47: {  	_ =	shalt  }
0x48: {  	_ =	shalt  }
0x49: {  	_ =	shalt  }
0x4a: {  	_ =	shalt  }
0x4b: {  	_ =	shalt  }
0x4c: {  	_ =	shalt  }
0x4d: {  	_ =	shalt  }
0x4e: {  	_ =	shalt  }
0x4f: {  	_ =	shalt  }
0x50: {  	_ =	shalt  }
0x51: {  	_ =	shalt  }
0x52: {  	_ =	shalt  }
0x53: {  	_ =	shalt  }
0x54: {  	_ =	shalt  }
0x55: {  	_ =	shalt  }
0x56: {  	_ =	shalt  }
0x57: {  	_ =	shalt  }
0x58: {  	_ =	shalt  }
0x59: {  	_ =	shalt  }
0x5a: {  	_ =	shalt  }
0x5b: {  	_ =	shalt  }
0x5c: {  	_ =	shalt  }
0x5d: {  	_ =	shalt  }
0x5e: {  	_ =	shalt  }
0x5f: {  	_ =	shalt  }
0x60: {  	_ =	shalt  }
0x61: {  	_ =	shalt  }
0x62: {  	_ =	shalt  }
0x63: {  	_ =	shalt  }
0x64: {  	_ =	shalt  }
0x65: {  	_ =	shalt  }
0x66: {  	_ =	shalt  }
0x67: {  	_ =	shalt  }
0x68: {  	_ =	shalt  }
0x69: {  	_ =	shalt  }
0x6a: {  	_ =	shalt  }
0x6b: {  	_ =	shalt  }
0x6c: {  	_ =	shalt  }
0x6d: {  	_ =	shalt  }
0x6e: {  	_ =	shalt  }
0x6f: {  	_ =	shalt  }
0x70: {  	_ =	shalt  }
0x71: {  	_ =	shalt  }
0x72: {  	_ =	shalt  }
0x73: {  	_ =	shalt  }
0x74: {  	_ =	shalt  }
0x75: {  	_ =	shalt  }
0x76: {  	_ =	shalt  }
0x77: {  	_ =	shalt  }
0x78: {  	_ =	shalt  }
0x79: {  	_ =	shalt  }
0x7a: {  	_ =	shalt  }
0x7b: {  	_ =	shalt  }
0x7c: {  	_ =	shalt  }
0x7d: {  	_ =	shalt  }
0x7e: {  	_ =	shalt  }
0x7f: {  	_ =	shalt  }
0x80: {  	_ =	shalt  }
0x81: {  	_ =	shalt  }
0x82: {  	_ =	shalt  }
0x83: {  	_ =	shalt  }
0x84: {  	_ =	shalt  }
0x85: {  	_ =	shalt  }
0x86: {  	_ =	shalt  }
0x87: {  	_ =	shalt  }
.Lfunc_end0:
.L_simem_size_0:
called_computation_lowered:
.L_overlay_start_0:
0x88: {  	s2 =	sld [smem:$0x3FD9]  }
0x89: {  	s3 =	sld [smem:$0x3FFE];
	_ =	sdelay $0x1  }
0x8a: {  	s1 =	srdreg.scid  }
0x8b: {  	s0 =	sand.u32 $0x1, s1  }
0x8c: {  	s17 =	sshll.u32 s0, $0xA;
	s2 =	sadd.s32 s3, s2  }
0x8d: {  	s2 =	sadd.s32 s2, s17  }
0x8e: {  	[smem:$0x3FBD] =	sst s2  }
0x8f: {  	_ = 	snop  }
0x90: {  	s2 =	sld [smem:$0x3FD0];
	(tm) =	ssettm $0x1  }
0x91: {  	s18 =	sld [smem:$0x3FFB];
	_ =	sdelay $0x3  }
0x92: {  	_ =	strace s18  }
0x93: {  	s3 =	sld [smem:$0x3FFC];
	_ =	sdelay $0x3  }
0x94: {  	_ =	strace s3  }
0x95: {  	s3 =	sld [smem:$0x3FFD];
	_ =	sdelay $0x3  }
0x96: {  	_ =	strace s3  }
0x97: {  	_ =	strace $0x8FFFFFFF  }
0x98: {  	s19 =	sld [smem:$0x3FDB];
	_ =	sdelay $0x1  }
0x99: {  	s4 =	simm.s32 $_scs_section_size  }
0x9a: {  	s5 =	simm.s32 $_size__tile_overlayer_lowered;
	s6 =	simm.s32 $_tile_overlayer_lowered  }
0x9b: {  	s22 =	simm.s32 $0x1BFF;
	s21 =	sshll.u32 s6, $0x1;
	s3 =	sadd.s32 s4, s19  }
0x9c: {  	s7 =	simm.s32 $0x0;
	s20 =	sshll.u32 s5, $0x1;
	s5 =	sadd.s32 s21, s3  }
0x9d: {  	[timem:s7], [sflag:s22] =	dma.local [hbm:s5], s20  }
0x9e: {  	_ =	swait.ge [sflag:s22], s20  }
0x9f: {  	s4 =	ssub.s32 $0x0, s20;
	[sflag:s22] =	ssyncset.done $0x0  }
0xa0: {  	[sflag:s22] =	ssyncadd.s32 s4;
	_ =	sdelay $0x1  }
0xa1: {  	s23 =	simm.s32 $0x1B8B  }
0xa2: {  	_ =	swait.ge [sflag:s23], $0x1  }
0xa3: {  	[sflag:s23] =	ssyncset.done $0x0  }
0xa4: {  	s25 =	simm.s32 $0x1B8E;
	s24 =	sld [smem:$0x3FFE];
	[sflag:s23] =	ssyncadd.s32 $0xFFFFFFFF  }
0xa5: {  	s26 =	simm.s32 $execute0_lowered;
	[smem:$0x3FD2] =	sst s25  }
0xa6: {  	s5 =	sshll.u32 s26, $0x1;
	_ =	strace $0x80000046;
	[dreg:$0x1] =	wrdreg $0xFFFFFFFF  }
0xa7: {  	s28 =	simm.s32 $_size_execute0_lowered;
	s3 =	sadd.s32 s3, s5;
	[dreg:$0x0] =	wrdreg $0x0  }
0xa8: {  	s5 =	sshll.u32 s28, $0x1;
	[dreg:$0x2] =	wrdreg s3  }
0xa9: {  	[dreg:$0x3] =	wrdreg s5  }
0xaa: {  	[dreg:$0x4] =	wrdreg $0xC0  }
0xab: {  	_ =	task [dreg:s7], $0x5FFFF  }
0xac: {  	[dreg:$0x1] =	wrdreg $0xFFFFFFFF  }
0xad: {  	[dreg:$0x0] =	wrdreg $0x60  }
0xae: {  	[dreg:$0x2] =	wrdreg s2  }
0xaf: {  	[dreg:$0x3] =	wrdreg s24  }
0xb0: {  	[dreg:$0x4] =	wrdreg $0x9  }
0xb1: {  	_ =	task.clear_ibuf [dreg:s7], $0x5FFFF;
	_ =	strace $0x90000046  }
0xb2: {  	s29 =	simm.s32 $0x9;
	_ =	strace $0x80000048  }
0xb3: {  	_ =	swait.ge [sflag:s29], $0x1  }
0xb4: {  	[sflag:s29] =	ssyncadd.s32 $0xFFFFFFFF  }
0xb5: {  	_ =	strace $0x90000048  }
0xb6: {  	_ =	sfence  }
0xb7: {  	s30 =	sld [smem:$0x0];
	_ =	sdelay $0x2  }
0xb8: {  	s31 =	sshll.u32 s1, $0xD;
	s1 =	sshrl.u32 s1, $0x2  }
0xb9: {  	s3 =	sand.u32 $0x4000, s31;
	s1 =	sadd.s32 s1, s30  }
0xba: {  	s0 =	sor.u32 s3, s0;
	s1 =	sshll.u32 s1, $0x11  }
0xbb: {  	s0 =	sor.u32 s1, s0  }
0xbc: {  	s0 =	sadd.s32 $0x8F2B, s0  }
0xbd: {  	[sflag:s0] =	ssyncadd.remote.s32 $0x1  }
0xbe: {  	_ =	sfence.sel $0xFFFF  }
0xbf: {  	[dreg:$0x0] =	wrdreg $0xFFFFFFFF;
	(pc) =	sbr.abs _section_cstart, $3  }
0xc0: {  	[dreg:$0x1] =	wrdreg $0xFFFFFFFF  }
0xc1: {  	_ =	task.clear_ibuf [dreg:s7], $0x2FFFF;
	_ =	strace $0x9FFFFFFF  }
0xc2: {  	(tm) =	ssettm $0x7FFFFFFF  }
0xc3: {  	_ =	shalt  }
tec
execute0_lowered:
.L_overlay_start_1:
0x0: {  	(tag) =	ssettag $0x1  }
0x1: {  	s2 =	rddreg [dreg:$0x0]  }
0x2: {  	s0 =	rddreg [dreg:$0x1]  }
0x3: {  	s1 =	srdreg.scid;
	s4 =	stileid.u32  }
0x4: {  	s3 =	simm.s32 $0x0;
	s11 =	simm.s32 $0x400;
	s12 =	simm.s32 $0x1  }
0x5: {  	s13 =	simm.s32 $0x80;
	s15 =	simm.s32 $0x48;
	s30 =	simm.s32 $0x2  }
0x6: {  	s10 =	simm.s32 $0x580;
	s14 =	simm.s32 $0x9500;
	s16 =	simm.s32 $0x600  }
0x7: {  	s17 =	simm.s32 $0x9E00;
	s18 =	simm.s32 $0x680;
	s19 =	simm.s32 $0xAE00  }
0x8: {  	s20 =	simm.s32 $0x700;
	s21 =	simm.s32 $0xB700;
	s22 =	simm.s32 $0x780  }
0x9: {  	s23 =	simm.s32 $0xC700;
	s24 =	simm.s32 $0x3;
	s25 =	simm.s32 $0xD000  }
0xa: {  	s28 =	simm.s32 $0x13400;
	s1 =	sand.u32 $0x1, s1;
	s4 =	sshll.u32 s4, $0x1  }
0xb: {  	[smem:$0x7FF] =	sst s3;
	s5 =	sor.u32 s1, s4;
	s1 =	ssub.s32 $0x2, s1  }
0xc: {  	_ =	strace $0x80000047;
	s4 =	sshll.u32 s5, $0xC;
	s26 =	sshrl.u32 s1, $0x1  }
.Ltmp0:
0xd: {  	s5 =	sshll.u32 s5, $0x7;
	s6 =	sadd.s32 s4, s0;
	(pc) =	sbr.rel .LBB2_1-.Ltmp0, $4  }
0xe: {  	s4 =	sadd.s32 $0x21A00, s0;
	s0 =	ssub.s32 s1, s26;
	s29 =	sadd.s32 $0x1A00, s6  }
0xf: {  	s26 =	simm.s32 $0x4;
	s31 =	sadd.s32 $0x1A80, s6;
	[dreg:$0x3] =	wrdreg s29  }
0x10: {  	s8 =	sadd.s32 $0x1B00, s6;
	s0 =	smax.u32 s0, $0x1;
	[dreg:$0x4] =	wrdreg s31  }
0x11: {  	s9 =	sadd.s32 $0x1B80, s6;
	s6 =	simm.s32 $0x0;
	[dreg:$0x5] =	wrdreg s0  }
.LBB2_8:
0x12: {  	s0 =	simm.s32 $0x5  }
0x13: {  	_ =	swait.ge [sflag:s0], $0x6400  }
0x14: {  	[sflag:s0] =	ssyncset.done $0x0  }
0x15: {  	s1 =	simm.s32 $0x6;
	[sflag:s0] =	ssyncadd.s32 $0xFFFF9C00  }
0x16: {  	_ =	swait.ge [sflag:s1], $0x6400  }
0x17: {  	s6 =	rddreg [dreg:$0x6]  }
0x18: {  	s31 =	rddreg [dreg:$0x5];
	s6 =	sadd.s32 $0x1, s6  }
0x19: {  	p0 =	sne.s32 s6, s31  }
.Ltmp1:
0x1a: {  	_ = 	snop;
	(pc) =	sbr.rel @!p0 .LBB2_9-.Ltmp1, $3  }
0x1b: {  	_ =	sdelay $0x1  }
0x1c: {  	[sflag:s1] =	ssyncset.done $0x0  }
0x1d: {  	[sflag:s1] =	ssyncadd.s32 $0xFFFF9C00  }
.LBB2_1:
0x1e: {  	[dreg:$0x6] =	wrdreg s6  }
0x1f: {  	s0 =	rddreg [dreg:$0x3]  }
0x20: {  	[tilespmem:s3], [sflag:$0x1] =	stream.linear.gather [hbm4b:s0+s3], $0x400, $0x38;
	[tilespmem:$0x19800] =	vst v63  }
0x21: {  	s31 =	rddreg [dreg:$0x4];
	s29 =	simm.s32 $0x0  }
0x22: {  	[tilespmem:s11], [sflag:$0x2] =	stream.linear.gather [hbm4b:s31+s3], $0x400, $0x38;
	[tilespmem:$0x19800] =	vst v63  }
.LBB2_2:
0x23: {  	_ =	swait.ge [sflag:s12], $0x400  }
0x24: {  	[sflag:s12] =	ssyncset.done $0x0  }
0x25: {  	s0 =	simm.s32 $0x800;
	[sflag:s12] =	ssyncadd.s32 $0xFFFFFC00  }
0x26: {  	[tilespmem:s0], [sflag:$0x3] =	stream.indirect.gather [hbm4b:s2+s13], $0x20, s3, s13, $0xb8;
	[tilespmem:$0x19800] =	vst v63  }
0x27: {  	s6 =	simm.s32 $0x1800  }
0x28: {  	[tilespmem:s6], [sflag:$0x3] =	stream.indirect.gather [hbm4b:s2+s15], $0x20, s13, s15, $0xb8;
	[tilespmem:$0x19800] =	vst v63  }
0x29: {  	s7 =	simm.s32 $0x100;
	s1 =	simm.s32 $0x2100  }
0x2a: {  	[tilespmem:s1], [sflag:$0x3] =	stream.indirect.gather [hbm4b:s2+s13], $0x20, s7, s13, $0xb8;
	[tilespmem:$0x19800] =	vst v63  }
0x2b: {  	s6 =	simm.s32 $0x180;
	s7 =	simm.s32 $0x3100  }
0x2c: {  	[tilespmem:s7], [sflag:$0x3] =	stream.indirect.gather [hbm4b:s2+s15], $0x20, s6, s15, $0xb8;
	[tilespmem:$0x19800] =	vst v63  }
0x2d: {  	s6 =	simm.s32 $0x200;
	s7 =	simm.s32 $0x3A00  }
0x2e: {  	[tilespmem:s7], [sflag:$0x3] =	stream.indirect.gather [hbm4b:s2+s13], $0x20, s6, s13, $0xb8;
	[tilespmem:$0x19800] =	vst v63  }
0x2f: {  	s6 =	simm.s32 $0x280;
	s7 =	simm.s32 $0x4A00  }
0x30: {  	[tilespmem:s7], [sflag:$0x3] =	stream.indirect.gather [hbm4b:s2+s15], $0x20, s6, s15, $0xb8;
	[tilespmem:$0x19800] =	vst v63  }
0x31: {  	s6 =	simm.s32 $0x300;
	s7 =	simm.s32 $0x5300  }
0x32: {  	[tilespmem:s7], [sflag:$0x3] =	stream.indirect.gather [hbm4b:s2+s13], $0x20, s6, s13, $0xb8;
	[tilespmem:$0x19800] =	vst v63  }
0x33: {  	s6 =	simm.s32 $0x380;
	s7 =	simm.s32 $0x6300  }
0x34: {  	[tilespmem:s7], [sflag:$0x3] =	stream.indirect.gather [hbm4b:s2+s15], $0x20, s6, s15, $0xb8;
	[tilespmem:$0x19800] =	vst v63  }
0x35: {  	_ =	swait.ge [sflag:s30], $0x400  }
0x36: {  	[sflag:s30] =	ssyncset.done $0x0  }
0x37: {  	s1 =	simm.s32 $0x6C00;
	[sflag:s30] =	ssyncadd.s32 $0xFFFFFC00  }
0x38: {  	[tilespmem:s1], [sflag:$0x4] =	stream.indirect.gather [hbm4b:s2+s13], $0x20, s11, s13, $0xb8;
	[tilespmem:$0x19800] =	vst v63  }
0x39: {  	s6 =	simm.s32 $0x480;
	s7 =	simm.s32 $0x7C00  }
0x3a: {  	[tilespmem:s7], [sflag:$0x4] =	stream.indirect.gather [hbm4b:s2+s15], $0x20, s6, s15, $0xb8;
	[tilespmem:$0x19800] =	vst v63  }
0x3b: {  	s6 =	simm.s32 $0x500;
	s7 =	simm.s32 $0x8500  }
0x3c: {  	[tilespmem:s7], [sflag:$0x4] =	stream.indirect.gather [hbm4b:s2+s13], $0x20, s6, s13, $0xb8;
	[tilespmem:$0x19800] =	vst v63  }
0x3d: {  	_ = 	snop  }
0x3e: {  	[tilespmem:s14], [sflag:$0x4] =	stream.indirect.gather [hbm4b:s2+s15], $0x20, s10, s15, $0xb8;
	[tilespmem:$0x19800] =	vst v63  }
0x3f: {  	_ = 	snop  }
0x40: {  	[tilespmem:s17], [sflag:$0x4] =	stream.indirect.gather [hbm4b:s2+s13], $0x20, s16, s13, $0xb8;
	[tilespmem:$0x19800] =	vst v63  }
0x41: {  	_ = 	snop  }
0x42: {  	[tilespmem:s19], [sflag:$0x4] =	stream.indirect.gather [hbm4b:s2+s15], $0x20, s18, s15, $0xb8;
	[tilespmem:$0x19800] =	vst v63  }
0x43: {  	_ = 	snop  }
0x44: {  	[tilespmem:s21], [sflag:$0x4] =	stream.indirect.gather [hbm4b:s2+s13], $0x20, s20, s13, $0xb8;
	[tilespmem:$0x19800] =	vst v63  }
0x45: {  	_ = 	snop  }
0x46: {  	[tilespmem:s23], [sflag:$0x4] =	stream.indirect.gather [hbm4b:s2+s15], $0x20, s22, s15, $0xb8;
	[tilespmem:$0x19800] =	vst v63  }
0x47: {  	_ =	swait.ge [sflag:s24], $0x1000  }
0x48: {  	[sflag:s24] =	ssyncset.done $0x0  }
0x49: {  	[sflag:s24] =	ssyncadd.s32 $0xFFFFF000  }
0x4a: {  	_ =	swait.ge [sflag:s24], $0x900  }
0x4b: {  	[sflag:s24] =	ssyncset.done $0x0  }
0x4c: {  	[sflag:s24] =	ssyncadd.s32 $0xFFFFF700  }
0x4d: {  	_ =	swait.ge [sflag:s24], $0x1000  }
0x4e: {  	[sflag:s24] =	ssyncset.done $0x0  }
0x4f: {  	[sflag:s24] =	ssyncadd.s32 $0xFFFFF000  }
0x50: {  	_ =	swait.ge [sflag:s24], $0x900  }
0x51: {  	[sflag:s24] =	ssyncset.done $0x0  }
0x52: {  	[sflag:s24] =	ssyncadd.s32 $0xFFFFF700  }
0x53: {  	_ =	swait.ge [sflag:s24], $0x1000  }
0x54: {  	[sflag:s24] =	ssyncset.done $0x0  }
0x55: {  	[sflag:s24] =	ssyncadd.s32 $0xFFFFF000  }
0x56: {  	_ =	swait.ge [sflag:s24], $0x900  }
0x57: {  	[sflag:s24] =	ssyncset.done $0x0  }
0x58: {  	[sflag:s24] =	ssyncadd.s32 $0xFFFFF700  }
0x59: {  	_ =	swait.ge [sflag:s24], $0x1000  }
0x5a: {  	[sflag:s24] =	ssyncset.done $0x0  }
0x5b: {  	[sflag:s24] =	ssyncadd.s32 $0xFFFFF000  }
0x5c: {  	_ =	swait.ge [sflag:s24], $0x900  }
0x5d: {  	p0 =	seq.s32 s29, $0x0;
	[sflag:s24] =	ssyncset.done $0x0  }
0x5e: {  	s0 =	simm.s32 @!p0 $0x5;
	[sflag:s24] =	ssyncadd.s32 $0xFFFFF700  }
0x5f: {  	_ =	swait.ge @!p0 [sflag:s0], $0x6400  }
0x60: {  	[sflag:s0] =	ssyncset.done @!p0 $0x0  }
0x61: {  	[sflag:s0] =	ssyncadd.s32 @!p0 $0xFFFF9C00;
	s0 =	simm.s32 $0x0  }
0x62: {  	v3 =	vld [tilespmem:s0+$0x870]  }
0x63: {  	v4 =	vld [tilespmem:s0+$0x800]  }
0x64: {  	v5 =	vld [tilespmem:s0+$0x810]  }
0x65: {  	v2 =	vld [tilespmem:s0+$0x820]  }
0x66: {  	v0 =	vld [tilespmem:s0+$0x830]  }
0x67: {  	v1 =	vld [tilespmem:s0+$0x840];
	[tilespmem:s0+$0xD070] =	vst v3  }
0x68: {  	[tilespmem:s0+$0xD000] =	vst v4;
	v3 =	vld [tilespmem:s0+$0x850]  }
0x69: {  	s31 =	sshll.u32 s29, $0x8;
	s1 =	simm.s32 $0x80;
	s6 =	simm.s32 $0x400;
	[tilespmem:s0+$0xD010] =	vst v5;
	v4 =	vld [tilespmem:s0+$0x860]  }
.LBB2_3:
0x6a: {  	p1 =	sne.s32 s6, $0x18E00;
	v5 =	vld [tilespmem:s1+$0x870];
	[tilespmem:s0+$0xD020] =	vst v2  }
0x6b: {  	v6 =	vld [tilespmem:s1+$0x800];
	[tilespmem:s0+$0xD030] =	vst v0  }
0x6c: {  	v7 =	vld [tilespmem:s1+$0x810];
	[tilespmem:s0+$0xD040] =	vst v1  }
.Ltmp2:
0x6d: {  	v2 =	vld [tilespmem:s1+$0x820];
	[tilespmem:s0+$0xD050] =	vst v3;
	(pc) =	sbr.rel @p1 .LBB2_3-.Ltmp2, $4  }
0x6e: {  	v0 =	vld [tilespmem:s1+$0x830];
	[tilespmem:s0+$0xD060] =	vst v4;
	s0 =	smov.u32 s1  }
0x6f: {  	v1 =	vld [tilespmem:s0+$0x840];
	[tilespmem:s0+$0xD070] =	vst v5  }
0x70: {  	[tilespmem:s0+$0xD000] =	vst v6;
	v3 =	vld [tilespmem:s0+$0x850]  }
0x71: {  	s1 =	sshra.s32 s6, $0x2;
	s6 =	sadd.s32 $0x200, s6;
	[tilespmem:s0+$0xD010] =	vst v7;
	v4 =	vld [tilespmem:s0+$0x860]  }
0x72: {  	v5 =	vld [tilespmem:s1+$0x870];
	[tilespmem:s0+$0xD020] =	vst v2  }
0x73: {  	v2 =	vld [tilespmem:s1+$0x800];
	[tilespmem:s0+$0xD030] =	vst v0  }
0x74: {  	v0 =	vld [tilespmem:s1+$0x810];
	[tilespmem:s0+$0xD040] =	vst v1  }
0x75: {  	v1 =	vld [tilespmem:s1+$0x820];
	[tilespmem:s0+$0xD050] =	vst v3  }
0x76: {  	v3 =	vld [tilespmem:s1+$0x830];
	[tilespmem:s0+$0xD060] =	vst v4  }
0x77: {  	v4 =	vld [tilespmem:s1+$0x840];
	[tilespmem:s1+$0xD070] =	vst v5  }
0x78: {  	[tilespmem:s1+$0xD000] =	vst v2;
	v2 =	vld [tilespmem:s1+$0x850]  }
0x79: {  	[tilespmem:s1+$0xD010] =	vst v0;
	v0 =	vld [tilespmem:s1+$0x860]  }
0x7a: {  	s0 =	sshll.u32 s29, $0x3;
	[tilespmem:s1+$0xD020] =	vst v1  }
0x7b: {  	s6 =	sadd.s32 s5, s0;
	[tilespmem:s1+$0xD030] =	vst v3  }
0x7c: {  	s6 =	smul.u32 $0x320, s6;
	[tilespmem:s1+$0xD040] =	vst v4  }
0x7d: {  	[tilespmem:s1+$0xD050] =	vst v2  }
0x7e: {  	p1 =	seq.s32 s29, $0xF;
	s7 =	sadd.s32 s4, s6;
	[tilespmem:s1+$0xD060] =	vst v0  }
0x7f: {  	[hbm4b:s7+s3] =	stream.linear.scatter [tilespmem:s25], [sflag:$0x5], $0x6400, $0x38;
	[tilespmem:$0x19800] =	vst v63  }
0x80: {  	s6 =	simm.s32 @!p1 $0x0;
	s1 =	sadd.s32 @!p1 s31, s8  }
0x81: {  	[tilespmem:s6], [sflag:$0x1] =	stream.linear.gather @!p1 [hbm4b:s1+s6], $0x400, $0x38;
	[tilespmem:$0x19800] =	vst v63  }
0x82: {  	_ =	swait.ge [sflag:s26], $0x1000  }
0x83: {  	[sflag:s26] =	ssyncset.done $0x0  }
0x84: {  	[sflag:s26] =	ssyncadd.s32 $0xFFFFF000  }
0x85: {  	_ =	swait.ge [sflag:s26], $0x900  }
0x86: {  	[sflag:s26] =	ssyncset.done $0x0  }
0x87: {  	[sflag:s26] =	ssyncadd.s32 $0xFFFFF700  }
0x88: {  	_ =	swait.ge [sflag:s26], $0x1000  }
0x89: {  	[sflag:s26] =	ssyncset.done $0x0  }
0x8a: {  	[sflag:s26] =	ssyncadd.s32 $0xFFFFF000  }
0x8b: {  	_ =	swait.ge [sflag:s26], $0x900  }
0x8c: {  	[sflag:s26] =	ssyncset.done $0x0  }
0x8d: {  	[sflag:s26] =	ssyncadd.s32 $0xFFFFF700  }
0x8e: {  	_ =	swait.ge [sflag:s26], $0x1000  }
0x8f: {  	[sflag:s26] =	ssyncset.done $0x0  }
0x90: {  	[sflag:s26] =	ssyncadd.s32 $0xFFFFF000  }
0x91: {  	_ =	swait.ge [sflag:s26], $0x900  }
0x92: {  	[sflag:s26] =	ssyncset.done $0x0  }
0x93: {  	[sflag:s26] =	ssyncadd.s32 $0xFFFFF700  }
0x94: {  	_ =	swait.ge [sflag:s26], $0x1000  }
0x95: {  	[sflag:s26] =	ssyncset.done $0x0  }
0x96: {  	[sflag:s26] =	ssyncadd.s32 $0xFFFFF000  }
0x97: {  	_ =	swait.ge [sflag:s26], $0x900  }
0x98: {  	[sflag:s26] =	ssyncset.done $0x0  }
0x99: {  	s1 =	simm.s32 @!p0 $0x6;
	[sflag:s26] =	ssyncadd.s32 $0xFFFFF700  }
0x9a: {  	_ =	swait.ge @!p0 [sflag:s1], $0x6400  }
0x9b: {  	[sflag:s1] =	ssyncset.done @!p0 $0x0  }
0x9c: {  	[sflag:s1] =	ssyncadd.s32 @!p0 $0xFFFF9C00;
	s1 =	simm.s32 $0x0  }
0x9d: {  	v3 =	vld [tilespmem:s1+$0x6C70]  }
0x9e: {  	v4 =	vld [tilespmem:s1+$0x6C00]  }
0x9f: {  	v5 =	vld [tilespmem:s1+$0x6C10]  }
0xa0: {  	v2 =	vld [tilespmem:s1+$0x6C20]  }
0xa1: {  	v0 =	vld [tilespmem:s1+$0x6C30]  }
0xa2: {  	v1 =	vld [tilespmem:s1+$0x6C40];
	[tilespmem:s1+$0x13470] =	vst v3  }
0xa3: {  	[tilespmem:s1+$0x13400] =	vst v4;
	v3 =	vld [tilespmem:s1+$0x6C50]  }
0xa4: {  	s7 =	simm.s32 $0x400;
	s6 =	simm.s32 $0x80;
	[tilespmem:s1+$0x13410] =	vst v5;
	v4 =	vld [tilespmem:s1+$0x6C60]  }
.LBB2_5:
0xa5: {  	p0 =	sne.s32 s7, $0x18E00;
	v5 =	vld [tilespmem:s6+$0x6C70];
	[tilespmem:s1+$0x13420] =	vst v2  }
0xa6: {  	v6 =	vld [tilespmem:s6+$0x6C00];
	[tilespmem:s1+$0x13430] =	vst v0  }
0xa7: {  	v7 =	vld [tilespmem:s6+$0x6C10];
	[tilespmem:s1+$0x13440] =	vst v1  }
.Ltmp3:
0xa8: {  	v2 =	vld [tilespmem:s6+$0x6C20];
	[tilespmem:s1+$0x13450] =	vst v3;
	(pc) =	sbr.rel @p0 .LBB2_5-.Ltmp3, $4  }
0xa9: {  	v0 =	vld [tilespmem:s6+$0x6C30];
	[tilespmem:s1+$0x13460] =	vst v4;
	s1 =	smov.u32 s6  }
0xaa: {  	v1 =	vld [tilespmem:s1+$0x6C40];
	[tilespmem:s1+$0x13470] =	vst v5  }
0xab: {  	[tilespmem:s1+$0x13400] =	vst v6;
	v3 =	vld [tilespmem:s1+$0x6C50]  }
0xac: {  	s6 =	sshra.s32 s7, $0x2;
	s7 =	sadd.s32 $0x200, s7;
	[tilespmem:s1+$0x13410] =	vst v7;
	v4 =	vld [tilespmem:s1+$0x6C60]  }
0xad: {  	v5 =	vld [tilespmem:s6+$0x6C70];
	[tilespmem:s1+$0x13420] =	vst v2  }
0xae: {  	v2 =	vld [tilespmem:s6+$0x6C00];
	[tilespmem:s1+$0x13430] =	vst v0  }
0xaf: {  	v0 =	vld [tilespmem:s6+$0x6C10];
	[tilespmem:s1+$0x13440] =	vst v1  }
0xb0: {  	v1 =	vld [tilespmem:s6+$0x6C20];
	[tilespmem:s1+$0x13450] =	vst v3  }
0xb1: {  	v3 =	vld [tilespmem:s6+$0x6C30];
	[tilespmem:s1+$0x13460] =	vst v4  }
0xb2: {  	v4 =	vld [tilespmem:s6+$0x6C40];
	[tilespmem:s6+$0x13470] =	vst v5  }
0xb3: {  	v62 =	vld [tilespmem:s6+$0x6C50];
	[tilespmem:s6+$0x13400] =	vst v2  }
0xb4: {  	s0 =	sadd.s32 s0, s5;
	v63 =	vld [tilespmem:s6+$0x6C60];
	[tilespmem:s6+$0x13410] =	vst v0  }
0xb5: {  	s0 =	smul.u32 $0x320, s0;
	[tilespmem:s6+$0x13420] =	vst v1  }
.Ltmp4:
0xb6: {  	[tilespmem:s6+$0x13430] =	vst v3;
	(pc) =	sbr.rel @p1 .LBB2_8-.Ltmp4, $4  }
0xb7: {  	[tilespmem:s6+$0x13440] =	vst v4  }
0xb8: {  	s0 =	sadd.s32 s4, s0;
	[tilespmem:s6+$0x13450] =	vst v62  }
0xb9: {  	s0 =	sadd.s32 $0xC80, s0;
	[tilespmem:s6+$0x13460] =	vst v63  }
0xba: {  	[hbm4b:s0+s3] =	stream.linear.scatter [tilespmem:s28], [sflag:$0x6], $0x6400, $0x38;
	[tilespmem:$0x19800] =	vst v63  }
.Ltmp5:
0xbb: {  	(pc) =	sbr.rel .LBB2_2-.Ltmp5, $3  }
0xbc: {  	_ =	sdelay $0x1  }
0xbd: {  	s0 =	sadd.s32 s31, s9;
	s29 =	sadd.s32 $0x1, s29  }
0xbe: {  	[tilespmem:s11], [sflag:$0x2] =	stream.linear.gather [hbm4b:s0+s3], $0x400, $0x38;
	[tilespmem:$0x19800] =	vst v63  }
.LBB2_9:
0xbf: {  	_ =	sfence.sel $0x180000  }
0xc0: {  	[bflag:$0x0] =	sbarrier.arrive $0xFFFF  }
0xc1: {  	_ =	strace $0x90000047  }
0xc2: {  	s0 =	stileid.u32;
	[bflag:$0x2] =	sbarrier.arrive $0xFFFF  }
0xc3: {  	p0 =	sne.s32 s0, $0x0;
	s0 =	rddreg [dreg:$0x2]  }
0xc4: {  	s0 =	sadd.s32 @!p0 $0x100000, s0  }
0xc5: {  	[sflag:s0] =	ssyncadd.tile.s32 @!p0 $0x1;
	_ =	shalt  }
.Lfunc_end2:
_tile_overlayer_lowered:
.L_overlay_start_2:
0xc6: {  	(tag) =	ssettag $0x2  }
0xc7: {  	s0 =	rddreg [dreg:$0x0];
	s2 =	stileid.u32  }
0xc8: {  	s1 =	rddreg [dreg:$0x1];
	p0 =	sne.s32 s2, $0x0  }
0xc9: {  	s3 =	rddreg [dreg:$0x2];
	[bflag:$0x3] =	sbarrier.arrive $0xFFFF;
	s2 =	simm.s32 @!p0 $0x1C07  }
0xca: {  	[timem:s3], [sflag:s2] =	dma.local @!p0 [hbm:s0], s1  }
0xcb: {  	s0 =	simm.s32 @!p0 $0x7  }
0xcc: {  	_ =	swait.ge @!p0 [sflag:s0], s1  }
0xcd: {  	s1 =	ssub.s32 @!p0 $0x0, s1;
	[sflag:s0] =	ssyncset.done @!p0 $0x0  }
0xce: {  	[sflag:s0] =	ssyncadd.s32 @!p0 s1  }
0xcf: {  	[bflag:$0x3] =	sbarrier.arrive $0xFFFF  }
0xd0: {  	_ =	shalt  }

</sc_bundles>
